<compile_context>
chip_gen: v7x
topology: tpu7x:2x2x1
jax: 0.10.2.dev20260603
libtpu: 0.0.44.dev20260713+nightly
codegen_flags: <defaults>
</compile_context>

<pallas_src>
import jax
import jax.numpy as jnp
from jax import lax
from jax.experimental import pallas as pl
from jax.experimental.pallas import tpu as pltpu
from jax.experimental.pallas import tpu_sc as plsc

N = 10000
D = 128
E = 320000
T = 3
INV_DEG = 1.0 / 32.0

NC = 2
NS = 16
NW = NC * NS
CHUNK = 128
CPW = 80
EP = NW * CPW * CHUNK
ACC_ROWS = 10240
RPT = ACC_ROWS // NS
TAIL = N - (NS - 1) * RPT
DUMP = N

BR = 2000


def _seg_sum_body(m_hbm, srcs_hbm, dst_hbm, zero_hbm, out_hbm,
                  sslab, dbuf0, dbuf1, rows0, rows1,
                  gsem0, gsem1, dsem0, dsem1, acc):
    c = lax.axis_index("c")
    s = lax.axis_index("s")
    wid = c * NS + s
    k0 = wid * CPW

    pltpu.sync_copy(srcs_hbm.at[wid], sslab)
    pltpu.sync_copy(zero_hbm, acc.at[pl.ds(s * RPT, RPT)])
    plsc.subcore_barrier()

    pltpu.async_copy(dst_hbm.at[k0], dbuf0, dsem0)
    pltpu.async_copy(dst_hbm.at[k0 + 1], dbuf1, dsem1)
    pltpu.async_copy(m_hbm.at[sslab.at[0]], rows0, gsem0)
    pltpu.async_copy(m_hbm.at[sslab.at[1]], rows1, gsem1)

    def body(j, carry):
        i0 = 2 * j
        pltpu.make_async_copy(m_hbm.at[sslab.at[i0]], rows0, gsem0).wait()
        pltpu.make_async_copy(dst_hbm.at[k0 + i0], dbuf0, dsem0).wait()
        pltpu.sync_copy(rows0, acc.at[dbuf0], add=True)
        pltpu.async_copy(dst_hbm.at[k0 + i0 + 2], dbuf0, dsem0)
        pltpu.async_copy(m_hbm.at[sslab.at[i0 + 2]], rows0, gsem0)

        pltpu.make_async_copy(m_hbm.at[sslab.at[i0 + 1]], rows1, gsem1).wait()
        pltpu.make_async_copy(dst_hbm.at[k0 + i0 + 1], dbuf1, dsem1).wait()
        pltpu.sync_copy(rows1, acc.at[dbuf1], add=True)
        pltpu.async_copy(dst_hbm.at[k0 + i0 + 3], dbuf1, dsem1)
        pltpu.async_copy(m_hbm.at[sslab.at[i0 + 3]], rows1, gsem1)
        return carry

    lax.fori_loop(0, CPW // 2, body, 0)
    pltpu.make_async_copy(m_hbm.at[sslab.at[CPW]], rows0, gsem0).wait()
    pltpu.make_async_copy(m_hbm.at[sslab.at[CPW + 1]], rows1, gsem1).wait()
    pltpu.make_async_copy(dst_hbm.at[k0 + CPW], dbuf0, dsem0).wait()
    pltpu.make_async_copy(dst_hbm.at[k0 + CPW + 1], dbuf1, dsem1).wait()
    plsc.subcore_barrier()

    @pl.when(s < NS - 1)
    def _():
        pltpu.sync_copy(acc.at[pl.ds(s * RPT, RPT)],
                        out_hbm.at[c, pl.ds(s * RPT, RPT)])

    @pl.when(s == NS - 1)
    def _():
        pltpu.sync_copy(acc.at[pl.ds((NS - 1) * RPT, TAIL)],
                        out_hbm.at[c, pl.ds((NS - 1) * RPT, TAIL)])


_seg_sum = pl.kernel(
    _seg_sum_body,
    out_type=jax.ShapeDtypeStruct((NC, N, D), jnp.float32),
    mesh=plsc.VectorSubcoreMesh(core_axis_name="c", subcore_axis_name="s"),
    scratch_types=[
        pltpu.VMEM((CPW + 2, CHUNK), jnp.int32),
        pltpu.VMEM((CHUNK,), jnp.int32),
        pltpu.VMEM((CHUNK,), jnp.int32),
        pltpu.VMEM((CHUNK, D), jnp.float32),
        pltpu.VMEM((CHUNK, D), jnp.float32),
        pltpu.SemaphoreType.DMA,
        pltpu.SemaphoreType.DMA,
        pltpu.SemaphoreType.DMA,
        pltpu.SemaphoreType.DMA,
        pltpu.VMEM_SHARED((ACC_ROWS, D), jnp.float32),
    ],
)


def _precompute_body(h_ref, wh_ref, s_ref, base_ref, m0_ref):
    cvec = jnp.mean(s_ref[...], axis=0, keepdims=True)
    b = lax.dot_general(h_ref[...], wh_ref[...], (((1,), (1,)), ((), ())),
                        preferred_element_type=jnp.float32) + cvec
    base_ref[...] = b
    m0_ref[...] = jnp.tanh(b)


def _precompute(h, Wh, s):
    return pl.pallas_call(
        _precompute_body,
        grid=(N // BR,),
        in_specs=[
            pl.BlockSpec((BR, D), lambda i: (i, 0)),
            pl.BlockSpec((D, D), lambda i: (0, 0)),
            pl.BlockSpec((20, D), lambda i: (0, 0)),
        ],
        out_specs=[
            pl.BlockSpec((BR, D), lambda i: (i, 0)),
            pl.BlockSpec((BR, D), lambda i: (i, 0)),
        ],
        out_shape=[
            jax.ShapeDtypeStruct((N, D), jnp.float32),
            jax.ShapeDtypeStruct((N, D), jnp.float32),
        ],
    )(h, Wh, s)


def _update_body(base_ref, p_ref, m_ref):
    ctx = (p_ref[0] + p_ref[1]) * INV_DEG
    m_ref[...] = jnp.tanh(base_ref[...] + ctx)


def _update(base, p):
    return pl.pallas_call(
        _update_body,
        grid=(N // BR,),
        in_specs=[
            pl.BlockSpec((BR, D), lambda i: (i, 0)),
            pl.BlockSpec((NC, BR, D), lambda i: (0, i, 0)),
        ],
        out_specs=pl.BlockSpec((BR, D), lambda i: (i, 0)),
        out_shape=jax.ShapeDtypeStruct((N, D), jnp.float32),
    )(base, p)


def _final_body(h_ref, p_ref, wa_ref, wb_ref, out_ref):
    ctx = (p_ref[0] + p_ref[1]) * INV_DEG
    out_ref[...] = (
        lax.dot_general(h_ref[...], wa_ref[...], (((1,), (1,)), ((), ())),
                        preferred_element_type=jnp.float32)
        + lax.dot_general(ctx, wb_ref[...], (((1,), (1,)), ((), ())),
                          preferred_element_type=jnp.float32)
    )


def _final(h, p, Wa, Wb):
    return pl.pallas_call(
        _final_body,
        grid=(N // BR,),
        in_specs=[
            pl.BlockSpec((BR, D), lambda i: (i, 0)),
            pl.BlockSpec((NC, BR, D), lambda i: (0, i, 0)),
            pl.BlockSpec((D, D), lambda i: (0, 0)),
            pl.BlockSpec((D, D), lambda i: (0, 0)),
        ],
        out_specs=pl.BlockSpec((BR, D), lambda i: (i, 0)),
        out_shape=jax.ShapeDtypeStruct((N, D), jnp.float32),
    )(h, p, Wa, Wb)


def kernel(h, edge_index, s, Wh, W12):
    src = edge_index[0].astype(jnp.int32)
    dst = edge_index[1].astype(jnp.int32)
    pad = EP - E + 2 * CHUNK
    src = jnp.concatenate([src, src[:pad]])
    dst = jnp.concatenate(
        [dst, DUMP + (jnp.arange(pad, dtype=jnp.int32) % (ACC_ROWS - N))])
    rowidx = (jnp.arange(NW, dtype=jnp.int32)[:, None] * CPW
              + jnp.arange(CPW + 2, dtype=jnp.int32)[None, :])
    srcs = src.reshape(NW * CPW + 2, CHUNK)[rowidx]
    dst = dst.reshape(NW * CPW + 2, CHUNK)
    zero = jnp.zeros((RPT, D), jnp.float32)
    Wa = W12[:, :D]
    Wb = W12[:, D:]

    base, m = _precompute(h, Wh, s)
    p = None
    for t in range(T):
        p = _seg_sum(m, srcs, dst, zero)
        if t < T - 1:
            m = _update(base, p)
    return _final(h, p, Wa, Wb)

# --- scband reference (transcript-rebuilt; emitter-appended) ---
"""Pipeline reference for scband-gscan-model-83184926589611 (READ-ONLY COPY).

The authoritative reference and input builder live on the scoring server;
editing this copy changes nothing except your own understanding.
"""

import jax, jax.numpy as jnp
import numpy as np

T = 3
D_LOC = 128
D_CTX = 128
D_H = 128
N_NODES = 10000
N_EDGES = 320000
SEQ_LEN = 20
AVG_DEG = 32.0

def setup_inputs(seed: int = 0) -> dict:
    key = jax.random.key(seed)
    k1, k2, k3, k4, k5 = jax.random.split(key, 5)
    h = jax.random.normal(k1, (N_NODES, D_LOC), dtype=jnp.float32)
    edge_index = jax.random.randint(k2, (2, N_EDGES), 0, N_NODES, dtype=jnp.int64)
    s = jax.random.normal(k3, (SEQ_LEN, D_CTX), dtype=jnp.float32)
    # LGCN message weight: mixes node features (d_loc) into context space (d_ctx)
    Wh = jax.random.normal(k4, (D_CTX, D_LOC), dtype=jnp.float32) * (1.0 / np.sqrt(D_LOC))
    # W12: Linear(d_loc + d_ctx -> d_h, bias=False); torch layout [out, in]
    W12 = jax.random.normal(k5, (D_H, D_LOC + D_CTX), dtype=jnp.float32) * (1.0 / np.sqrt(D_LOC + D_CTX))
    return {"h": h, "edge_index": edge_index, "s": s, "Wh": Wh, "W12": W12}

def reference(h, edge_index, s, Wh, W12):
    # sentence_embed: mean-pool sentence tokens into a global context vector c
    c = jnp.mean(s, axis=0)  # [d_ctx]
    N = h.shape[0]
    src = edge_index[0]
    dst = edge_index[1]
    # init_ctx -> zeros context per node
    ctx = jnp.zeros((N, D_CTX), dtype=h.dtype)
    # T rounds of language-conditioned graph message passing (LGCN)
    for _ in range(T):
        msg = jnp.tanh(h[src] @ Wh.T + ctx[src] + c[None, :])  # gather on src
        ctx = jax.ops.segment_sum(msg, dst, num_segments=N) / AVG_DEG  # scatter-add on dst
    # ctx_ft = W12(cat(h, ctx))
    ctx_ft = jnp.concatenate([h, ctx], axis=-1) @ W12.T  # [N, d_h]
    # decoder is identity passthrough in the original module
    return ctx_ft

if __name__ == "__main__":
    import jax
    _d = setup_inputs()
    print(jax.jit(kernel)(*tuple(_d.values())))

</pallas_src>

<mosaic_0001>
#map = affine_map<(d0, d1) -> (0, 0)>
#map1 = affine_map<(d0, d1) -> (0, 0, 0)>
module attributes {stable_mosaic.version = 14 : i64} {
  func.func @_seg_sum_body(%arg0: i32, %arg1: i32, %arg2: memref<10000x128xf32, #tpu.memory_space<hbm>>, %arg3: memref<32x82x128xi32, #tpu.memory_space<hbm>>, %arg4: memref<2562x128xi32, #tpu.memory_space<hbm>>, %arg5: memref<640x128xf32, #tpu.memory_space<hbm>>, %arg6: memref<2x10000x128xf32, #tpu.memory_space<hbm>>, %arg7: memref<82x128xi32, #tpu.memory_space<vmem>>, %arg8: memref<128xi32, #tpu.memory_space<vmem>>, %arg9: memref<128xi32, #tpu.memory_space<vmem>>, %arg10: memref<128x128xf32, #tpu.memory_space<vmem>>, %arg11: memref<128x128xf32, #tpu.memory_space<vmem>>, %arg12: memref<!tpu.dma_semaphore, #tpu.memory_space<semaphore_mem>>, %arg13: memref<!tpu.dma_semaphore, #tpu.memory_space<semaphore_mem>>, %arg14: memref<!tpu.dma_semaphore, #tpu.memory_space<semaphore_mem>>, %arg15: memref<!tpu.dma_semaphore, #tpu.memory_space<semaphore_mem>>, %arg16: memref<10240x128xf32, #tpu.memory_space<vmem_shared>>) attributes {dimension_semantics = [#tpu.dimension_semantics<core_parallel>, #tpu.dimension_semantics<subcore_parallel>], iteration_bounds = array<i64: 2, 16>, scalar_prefetch = 0 : i64, scratch_operands = 10 : i64, tpu.core_type = #tpu.core_type<sc_vector_subcore>, window_params = [{transform_indices = #map}, {transform_indices = #map1}, {transform_indices = #map}, {transform_indices = #map}, {transform_indices = #map1}]} {
    %mul3A = arith.constant 16 : i32
    %mul3A_0 = arith.muli %arg0, %mul3A : i32
    %add3A = arith.addi %mul3A_0, %arg1 : i32
    %mul3A_1 = arith.constant 80 : i32
    %mul3A_2 = arith.muli %add3A, %mul3A_1 : i32
    "tpu.region"() ({
      %run_scoped3A = tpu.sem_alloc : memref<!tpu.dma_semaphore, #tpu.memory_space<semaphore_mem>>
      %dma_start3A_75 = arith.constant 0 : i32
      %dma_start3A_76 = arith.constant 0 : i32
      %dma_start3A_77 = tpu.memref_slice %arg3[%add3A, %dma_start3A_75, %dma_start3A_76] : memref<32x82x128xi32, #tpu.memory_space<hbm>> -> memref<1x82x128xi32, #tpu.memory_space<hbm>>
      %dma_start3A_78 = tpu.memref_squeeze %dma_start3A_77 : memref<1x82x128xi32, #tpu.memory_space<hbm>> -> memref<82x128xi32, #tpu.memory_space<hbm>>
      %dma_start3A_79 = arith.constant 0 : i32
      %dma_start3A_80 = arith.constant 0 : i32
      %dma_start3A_81 = tpu.memref_slice %arg3[%add3A, %dma_start3A_79, %dma_start3A_80] : memref<32x82x128xi32, #tpu.memory_space<hbm>> -> memref<1x82x128xi32, #tpu.memory_space<hbm>>
      %dma_start3A_82 = tpu.memref_squeeze %dma_start3A_81 : memref<1x82x128xi32, #tpu.memory_space<hbm>> -> memref<82x128xi32, #tpu.memory_space<hbm>>
      tpu.enqueue_dma source(%dma_start3A_82 : memref<82x128xi32, #tpu.memory_space<hbm>>) target(%arg7 : memref<82x128xi32, #tpu.memory_space<vmem>>) target_semaphore(%run_scoped3A : memref<!tpu.dma_semaphore, #tpu.memory_space<semaphore_mem>>)
      %dma_wait3A_83 = arith.constant 0 : i32
      %dma_wait3A_84 = arith.constant 0 : i32
      %dma_wait3A_85 = tpu.memref_slice %arg3[%add3A, %dma_wait3A_83, %dma_wait3A_84] : memref<32x82x128xi32, #tpu.memory_space<hbm>> -> memref<1x82x128xi32, #tpu.memory_space<hbm>>
      %dma_wait3A_86 = tpu.memref_squeeze %dma_wait3A_85 : memref<1x82x128xi32, #tpu.memory_space<hbm>> -> memref<82x128xi32, #tpu.memory_space<hbm>>
      %dma_wait3A_87 = arith.constant 0 : i32
      %dma_wait3A_88 = arith.constant 0 : i32
      %dma_wait3A_89 = tpu.memref_slice %arg3[%add3A, %dma_wait3A_87, %dma_wait3A_88] : memref<32x82x128xi32, #tpu.memory_space<hbm>> -> memref<1x82x128xi32, #tpu.memory_space<hbm>>
      %dma_wait3A_90 = tpu.memref_squeeze %dma_wait3A_89 : memref<1x82x128xi32, #tpu.memory_space<hbm>> -> memref<82x128xi32, #tpu.memory_space<hbm>>
      tpu.wait_dma2 semaphore(%run_scoped3A : memref<!tpu.dma_semaphore, #tpu.memory_space<semaphore_mem>>) src(%dma_wait3A_90 : memref<82x128xi32, #tpu.memory_space<hbm>>) dst(%arg7 : memref<82x128xi32, #tpu.memory_space<vmem>>)
      tpu.yield
    }) : () -> ()
    %mul3A_3 = arith.constant 640 : i32
    %mul3A_4 = arith.muli %arg1, %mul3A_3 : i32
    "tpu.region"() ({
      %run_scoped3A = tpu.sem_alloc : memref<!tpu.dma_semaphore, #tpu.memory_space<semaphore_mem>>
      %dma_start3A_75 = arith.constant 0 : i32
      %dma_start3A_76 = tpu.memref_slice %arg16[%mul3A_4, %dma_start3A_75] : memref<10240x128xf32, #tpu.memory_space<vmem_shared>> -> memref<640x128xf32, #tpu.memory_space<vmem_shared>>
      tpu.enqueue_dma source(%arg5 : memref<640x128xf32, #tpu.memory_space<hbm>>) target(%dma_start3A_76 : memref<640x128xf32, #tpu.memory_space<vmem_shared>>) target_semaphore(%run_scoped3A : memref<!tpu.dma_semaphore, #tpu.memory_space<semaphore_mem>>)
      %dma_wait3A_77 = arith.constant 0 : i32
      %dma_wait3A_78 = tpu.memref_slice %arg16[%mul3A_4, %dma_wait3A_77] : memref<10240x128xf32, #tpu.memory_space<vmem_shared>> -> memref<640x128xf32, #tpu.memory_space<vmem_shared>>
      tpu.wait_dma2 semaphore(%run_scoped3A : memref<!tpu.dma_semaphore, #tpu.memory_space<semaphore_mem>>) src(%arg5 : memref<640x128xf32, #tpu.memory_space<hbm>>) dst(%dma_wait3A_78 : memref<640x128xf32, #tpu.memory_space<vmem_shared>>)
      tpu.yield
    }) : () -> ()
    %barrier3A = arith.constant 0 : index
    tpu.barrier barrier_id(%barrier3A)
    %dma_start3A = arith.constant 0 : i32
    %dma_start3A_5 = tpu.memref_slice %arg4[%mul3A_2, %dma_start3A] : memref<2562x128xi32, #tpu.memory_space<hbm>> -> memref<1x128xi32, #tpu.memory_space<hbm>>
    %dma_start3A_6 = tpu.memref_squeeze %dma_start3A_5 : memref<1x128xi32, #tpu.memory_space<hbm>> -> memref<128xi32, #tpu.memory_space<hbm>>
    %dma_start3A_7 = arith.constant 0 : i32
    %dma_start3A_8 = tpu.memref_slice %arg4[%mul3A_2, %dma_start3A_7] : memref<2562x128xi32, #tpu.memory_space<hbm>> -> memref<1x128xi32, #tpu.memory_space<hbm>>
    %dma_start3A_9 = tpu.memref_squeeze %dma_start3A_8 : memref<1x128xi32, #tpu.memory_space<hbm>> -> memref<128xi32, #tpu.memory_space<hbm>>
    tpu.enqueue_dma source(%dma_start3A_9 : memref<128xi32, #tpu.memory_space<hbm>>) target(%arg8 : memref<128xi32, #tpu.memory_space<vmem>>) target_semaphore(%arg14 : memref<!tpu.dma_semaphore, #tpu.memory_space<semaphore_mem>>)
    %add3A_10 = arith.constant 1 : i32
    %add3A_11 = arith.addi %mul3A_2, %add3A_10 : i32
    %dma_start3A_12 = arith.constant 0 : i32
    %dma_start3A_13 = tpu.memref_slice %arg4[%add3A_11, %dma_start3A_12] : memref<2562x128xi32, #tpu.memory_space<hbm>> -> memref<1x128xi32, #tpu.memory_space<hbm>>
    %dma_start3A_14 = tpu.memref_squeeze %dma_start3A_13 : memref<1x128xi32, #tpu.memory_space<hbm>> -> memref<128xi32, #tpu.memory_space<hbm>>
    %dma_start3A_15 = arith.constant 0 : i32
    %dma_start3A_16 = tpu.memref_slice %arg4[%add3A_11, %dma_start3A_15] : memref<2562x128xi32, #tpu.memory_space<hbm>> -> memref<1x128xi32, #tpu.memory_space<hbm>>
    %dma_start3A_17 = tpu.memref_squeeze %dma_start3A_16 : memref<1x128xi32, #tpu.memory_space<hbm>> -> memref<128xi32, #tpu.memory_space<hbm>>
    tpu.enqueue_dma source(%dma_start3A_17 : memref<128xi32, #tpu.memory_space<hbm>>) target(%arg9 : memref<128xi32, #tpu.memory_space<vmem>>) target_semaphore(%arg15 : memref<!tpu.dma_semaphore, #tpu.memory_space<semaphore_mem>>)
    %dma_start3A_18 = arith.constant 0 : i32
    %dma_start3A_19 = arith.constant 0 : i32
    %dma_start3A_20 = tpu.memref_slice %arg7[%dma_start3A_18, %dma_start3A_19] : memref<82x128xi32, #tpu.memory_space<vmem>> -> memref<1x128xi32, #tpu.memory_space<vmem>>
    %dma_start3A_21 = tpu.memref_squeeze %dma_start3A_20 : memref<1x128xi32, #tpu.memory_space<vmem>> -> memref<128xi32, #tpu.memory_space<vmem>>
    %dma_start3A_22 = arith.constant 0 : i32
    %dma_start3A_23 = arith.constant 0 : i32
    %dma_start3A_24 = tpu.memref_slice %arg2[%dma_start3A_22, %dma_start3A_23] : memref<10000x128xf32, #tpu.memory_space<hbm>> -> memref<10000x128xf32, #tpu.memory_space<hbm>>
    tpu.enqueue_indirect_dma source(%dma_start3A_24 : memref<10000x128xf32, #tpu.memory_space<hbm>>) target(%arg10 : memref<128x128xf32, #tpu.memory_space<vmem>>) offsets(%dma_start3A_21 : memref<128xi32, #tpu.memory_space<vmem>>) semaphore(%arg12 : memref<!tpu.dma_semaphore, #tpu.memory_space<semaphore_mem>>)
    %dma_start3A_25 = arith.constant 1 : i32
    %dma_start3A_26 = arith.constant 0 : i32
    %dma_start3A_27 = tpu.memref_slice %arg7[%dma_start3A_25, %dma_start3A_26] : memref<82x128xi32, #tpu.memory_space<vmem>> -> memref<1x128xi32, #tpu.memory_space<vmem>>
    %dma_start3A_28 = tpu.memref_squeeze %dma_start3A_27 : memref<1x128xi32, #tpu.memory_space<vmem>> -> memref<128xi32, #tpu.memory_space<vmem>>
    %dma_start3A_29 = arith.constant 0 : i32
    %dma_start3A_30 = arith.constant 0 : i32
    %dma_start3A_31 = tpu.memref_slice %arg2[%dma_start3A_29, %dma_start3A_30] : memref<10000x128xf32, #tpu.memory_space<hbm>> -> memref<10000x128xf32, #tpu.memory_space<hbm>>
    tpu.enqueue_indirect_dma source(%dma_start3A_31 : memref<10000x128xf32, #tpu.memory_space<hbm>>) target(%arg11 : memref<128x128xf32, #tpu.memory_space<vmem>>) offsets(%dma_start3A_28 : memref<128xi32, #tpu.memory_space<vmem>>) semaphore(%arg13 : memref<!tpu.dma_semaphore, #tpu.memory_space<semaphore_mem>>)
    %scan3A = arith.constant 0 : i32
    %scan3A_32 = arith.constant 0 : i32
    %scan3A_33 = arith.constant 40 : i32
    %scan3A_34 = arith.addi %scan3A_32, %scan3A_33 : i32
    %scan3A_35 = arith.constant 1 : i32
    scf.for %scan3A_75 = %scan3A_32 to %scan3A_34 step %scan3A_35  : i32 {
      %mul3A_76 = arith.constant 2 : i32
      %mul3A_77 = arith.muli %mul3A_76, %scan3A_75 : i32
      %dma_wait3A_78 = arith.constant 0 : i32
      %dma_wait3A_79 = tpu.memref_slice %arg7[%mul3A_77, %dma_wait3A_78] : memref<82x128xi32, #tpu.memory_space<vmem>> -> memref<1x128xi32, #tpu.memory_space<vmem>>
      %dma_wait3A_80 = tpu.memref_squeeze %dma_wait3A_79 : memref<1x128xi32, #tpu.memory_space<vmem>> -> memref<128xi32, #tpu.memory_space<vmem>>
      %dma_wait3A_81 = arith.constant 0 : i32
      %dma_wait3A_82 = arith.constant 0 : i32
      %dma_wait3A_83 = tpu.memref_slice %arg2[%dma_wait3A_81, %dma_wait3A_82] : memref<10000x128xf32, #tpu.memory_space<hbm>> -> memref<10000x128xf32, #tpu.memory_space<hbm>>
      tpu.wait_indirect_dma semaphore(%arg12 : memref<!tpu.dma_semaphore, #tpu.memory_space<semaphore_mem>>) src(%dma_wait3A_83 : memref<10000x128xf32, #tpu.memory_space<hbm>>) dst(%arg10 : memref<128x128xf32, #tpu.memory_space<vmem>>)
      %add3A_84 = arith.addi %mul3A_2, %mul3A_77 : i32
      %dma_wait3A_85 = arith.constant 0 : i32
      %dma_wait3A_86 = tpu.memref_slice %arg4[%add3A_84, %dma_wait3A_85] : memref<2562x128xi32, #tpu.memory_space<hbm>> -> memref<1x128xi32, #tpu.memory_space<hbm>>
      %dma_wait3A_87 = tpu.memref_squeeze %dma_wait3A_86 : memref<1x128xi32, #tpu.memory_space<hbm>> -> memref<128xi32, #tpu.memory_space<hbm>>
      %dma_wait3A_88 = arith.constant 0 : i32
      %dma_wait3A_89 = tpu.memref_slice %arg4[%add3A_84, %dma_wait3A_88] : memref<2562x128xi32, #tpu.memory_space<hbm>> -> memref<1x128xi32, #tpu.memory_space<hbm>>
      %dma_wait3A_90 = tpu.memref_squeeze %dma_wait3A_89 : memref<1x128xi32, #tpu.memory_space<hbm>> -> memref<128xi32, #tpu.memory_space<hbm>>
      tpu.wait_dma2 semaphore(%arg14 : memref<!tpu.dma_semaphore, #tpu.memory_space<semaphore_mem>>) src(%dma_wait3A_90 : memref<128xi32, #tpu.memory_space<hbm>>) dst(%arg8 : memref<128xi32, #tpu.memory_space<vmem>>)
      "tpu.region"() ({
        %run_scoped3A = tpu.sem_alloc : memref<!tpu.dma_semaphore, #tpu.memory_space<semaphore_mem>>
        %dma_start3A_142 = arith.constant 0 : i32
        %dma_start3A_143 = arith.constant 0 : i32
        %dma_start3A_144 = tpu.memref_slice %arg16[%dma_start3A_142, %dma_start3A_143] : memref<10240x128xf32, #tpu.memory_space<vmem_shared>> -> memref<10240x128xf32, #tpu.memory_space<vmem_shared>>
        tpu.enqueue_indirect_dma source(%arg10 : memref<128x128xf32, #tpu.memory_space<vmem>>) target(%dma_start3A_144 : memref<10240x128xf32, #tpu.memory_space<vmem_shared>>) offsets(%arg8 : memref<128xi32, #tpu.memory_space<vmem>>) semaphore(%run_scoped3A : memref<!tpu.dma_semaphore, #tpu.memory_space<semaphore_mem>>) {add = true}
        %dma_wait3A_145 = arith.constant 0 : i32
        %dma_wait3A_146 = arith.constant 0 : i32
        %dma_wait3A_147 = tpu.memref_slice %arg16[%dma_wait3A_145, %dma_wait3A_146] : memref<10240x128xf32, #tpu.memory_space<vmem_shared>> -> memref<10240x128xf32, #tpu.memory_space<vmem_shared>>
        tpu.wait_indirect_dma semaphore(%run_scoped3A : memref<!tpu.dma_semaphore, #tpu.memory_space<semaphore_mem>>) src(%arg10 : memref<128x128xf32, #tpu.memory_space<vmem>>) dst(%dma_wait3A_147 : memref<10240x128xf32, #tpu.memory_space<vmem_shared>>)
        tpu.yield
      }) : () -> ()
      %add3A_91 = arith.addi %mul3A_2, %mul3A_77 : i32
      %add3A_92 = arith.constant 2 : i32
      %add3A_93 = arith.addi %add3A_91, %add3A_92 : i32
      %dma_start3A_94 = arith.constant 0 : i32
      %dma_start3A_95 = tpu.memref_slice %arg4[%add3A_93, %dma_start3A_94] : memref<2562x128xi32, #tpu.memory_space<hbm>> -> memref<1x128xi32, #tpu.memory_space<hbm>>
      %dma_start3A_96 = tpu.memref_squeeze %dma_start3A_95 : memref<1x128xi32, #tpu.memory_space<hbm>> -> memref<128xi32, #tpu.memory_space<hbm>>
      %dma_start3A_97 = arith.constant 0 : i32
      %dma_start3A_98 = tpu.memref_slice %arg4[%add3A_93, %dma_start3A_97] : memref<2562x128xi32, #tpu.memory_space<hbm>> -> memref<1x128xi32, #tpu.memory_space<hbm>>
      %dma_start3A_99 = tpu.memref_squeeze %dma_start3A_98 : memref<1x128xi32, #tpu.memory_space<hbm>> -> memref<128xi32, #tpu.memory_space<hbm>>
      tpu.enqueue_dma source(%dma_start3A_99 : memref<128xi32, #tpu.memory_space<hbm>>) target(%arg8 : memref<128xi32, #tpu.memory_space<vmem>>) target_semaphore(%arg14 : memref<!tpu.dma_semaphore, #tpu.memory_space<semaphore_mem>>)
      %add3A_100 = arith.constant 2 : i32
      %add3A_101 = arith.addi %mul3A_77, %add3A_100 : i32
      %dma_start3A_102 = arith.constant 0 : i32
      %dma_start3A_103 = tpu.memref_slice %arg7[%add3A_101, %dma_start3A_102] : memref<82x128xi32, #tpu.memory_space<vmem>> -> memref<1x128xi32, #tpu.memory_space<vmem>>
      %dma_start3A_104 = tpu.memref_squeeze %dma_start3A_103 : memref<1x128xi32, #tpu.memory_space<vmem>> -> memref<128xi32, #tpu.memory_space<vmem>>
      %dma_start3A_105 = arith.constant 0 : i32
      %dma_start3A_106 = arith.constant 0 : i32
      %dma_start3A_107 = tpu.memref_slice %arg2[%dma_start3A_105, %dma_start3A_106] : memref<10000x128xf32, #tpu.memory_space<hbm>> -> memref<10000x128xf32, #tpu.memory_space<hbm>>
      tpu.enqueue_indirect_dma source(%dma_start3A_107 : memref<10000x128xf32, #tpu.memory_space<hbm>>) target(%arg10 : memref<128x128xf32, #tpu.memory_space<vmem>>) offsets(%dma_start3A_104 : memref<128xi32, #tpu.memory_space<vmem>>) semaphore(%arg12 : memref<!tpu.dma_semaphore, #tpu.memory_space<semaphore_mem>>)
      %add3A_108 = arith.constant 1 : i32
      %add3A_109 = arith.addi %mul3A_77, %add3A_108 : i32
      %dma_wait3A_110 = arith.constant 0 : i32
      %dma_wait3A_111 = tpu.memref_slice %arg7[%add3A_109, %dma_wait3A_110] : memref<82x128xi32, #tpu.memory_space<vmem>> -> memref<1x128xi32, #tpu.memory_space<vmem>>
      %dma_wait3A_112 = tpu.memref_squeeze %dma_wait3A_111 : memref<1x128xi32, #tpu.memory_space<vmem>> -> memref<128xi32, #tpu.memory_space<vmem>>
      %dma_wait3A_113 = arith.constant 0 : i32
      %dma_wait3A_114 = arith.constant 0 : i32
      %dma_wait3A_115 = tpu.memref_slice %arg2[%dma_wait3A_113, %dma_wait3A_114] : memref<10000x128xf32, #tpu.memory_space<hbm>> -> memref<10000x128xf32, #tpu.memory_space<hbm>>
      tpu.wait_indirect_dma semaphore(%arg13 : memref<!tpu.dma_semaphore, #tpu.memory_space<semaphore_mem>>) src(%dma_wait3A_115 : memref<10000x128xf32, #tpu.memory_space<hbm>>) dst(%arg11 : memref<128x128xf32, #tpu.memory_space<vmem>>)
      %add3A_116 = arith.addi %mul3A_2, %mul3A_77 : i32
      %add3A_117 = arith.constant 1 : i32
      %add3A_118 = arith.addi %add3A_116, %add3A_117 : i32
      %dma_wait3A_119 = arith.constant 0 : i32
      %dma_wait3A_120 = tpu.memref_slice %arg4[%add3A_118, %dma_wait3A_119] : memref<2562x128xi32, #tpu.memory_space<hbm>> -> memref<1x128xi32, #tpu.memory_space<hbm>>
      %dma_wait3A_121 = tpu.memref_squeeze %dma_wait3A_120 : memref<1x128xi32, #tpu.memory_space<hbm>> -> memref<128xi32, #tpu.memory_space<hbm>>
      %dma_wait3A_122 = arith.constant 0 : i32
      %dma_wait3A_123 = tpu.memref_slice %arg4[%add3A_118, %dma_wait3A_122] : memref<2562x128xi32, #tpu.memory_space<hbm>> -> memref<1x128xi32, #tpu.memory_space<hbm>>
      %dma_wait3A_124 = tpu.memref_squeeze %dma_wait3A_123 : memref<1x128xi32, #tpu.memory_space<hbm>> -> memref<128xi32, #tpu.memory_space<hbm>>
      tpu.wait_dma2 semaphore(%arg15 : memref<!tpu.dma_semaphore, #tpu.memory_space<semaphore_mem>>) src(%dma_wait3A_124 : memref<128xi32, #tpu.memory_space<hbm>>) dst(%arg9 : memref<128xi32, #tpu.memory_space<vmem>>)
      "tpu.region"() ({
        %run_scoped3A = tpu.sem_alloc : memref<!tpu.dma_semaphore, #tpu.memory_space<semaphore_mem>>
        %dma_start3A_142 = arith.constant 0 : i32
        %dma_start3A_143 = arith.constant 0 : i32
        %dma_start3A_144 = tpu.memref_slice %arg16[%dma_start3A_142, %dma_start3A_143] : memref<10240x128xf32, #tpu.memory_space<vmem_shared>> -> memref<10240x128xf32, #tpu.memory_space<vmem_shared>>
        tpu.enqueue_indirect_dma source(%arg11 : memref<128x128xf32, #tpu.memory_space<vmem>>) target(%dma_start3A_144 : memref<10240x128xf32, #tpu.memory_space<vmem_shared>>) offsets(%arg9 : memref<128xi32, #tpu.memory_space<vmem>>) semaphore(%run_scoped3A : memref<!tpu.dma_semaphore, #tpu.memory_space<semaphore_mem>>) {add = true}
        %dma_wait3A_145 = arith.constant 0 : i32
        %dma_wait3A_146 = arith.constant 0 : i32
        %dma_wait3A_147 = tpu.memref_slice %arg16[%dma_wait3A_145, %dma_wait3A_146] : memref<10240x128xf32, #tpu.memory_space<vmem_shared>> -> memref<10240x128xf32, #tpu.memory_space<vmem_shared>>
        tpu.wait_indirect_dma semaphore(%run_scoped3A : memref<!tpu.dma_semaphore, #tpu.memory_space<semaphore_mem>>) src(%arg11 : memref<128x128xf32, #tpu.memory_space<vmem>>) dst(%dma_wait3A_147 : memref<10240x128xf32, #tpu.memory_space<vmem_shared>>)
        tpu.yield
      }) : () -> ()
      %add3A_125 = arith.addi %mul3A_2, %mul3A_77 : i32
      %add3A_126 = arith.constant 3 : i32
      %add3A_127 = arith.addi %add3A_125, %add3A_126 : i32
      %dma_start3A_128 = arith.constant 0 : i32
      %dma_start3A_129 = tpu.memref_slice %arg4[%add3A_127, %dma_start3A_128] : memref<2562x128xi32, #tpu.memory_space<hbm>> -> memref<1x128xi32, #tpu.memory_space<hbm>>
      %dma_start3A_130 = tpu.memref_squeeze %dma_start3A_129 : memref<1x128xi32, #tpu.memory_space<hbm>> -> memref<128xi32, #tpu.memory_space<hbm>>
      %dma_start3A_131 = arith.constant 0 : i32
      %dma_start3A_132 = tpu.memref_slice %arg4[%add3A_127, %dma_start3A_131] : memref<2562x128xi32, #tpu.memory_space<hbm>> -> memref<1x128xi32, #tpu.memory_space<hbm>>
      %dma_start3A_133 = tpu.memref_squeeze %dma_start3A_132 : memref<1x128xi32, #tpu.memory_space<hbm>> -> memref<128xi32, #tpu.memory_space<hbm>>
      tpu.enqueue_dma source(%dma_start3A_133 : memref<128xi32, #tpu.memory_space<hbm>>) target(%arg9 : memref<128xi32, #tpu.memory_space<vmem>>) target_semaphore(%arg15 : memref<!tpu.dma_semaphore, #tpu.memory_space<semaphore_mem>>)
      %add3A_134 = arith.constant 3 : i32
      %add3A_135 = arith.addi %mul3A_77, %add3A_134 : i32
      %dma_start3A_136 = arith.constant 0 : i32
      %dma_start3A_137 = tpu.memref_slice %arg7[%add3A_135, %dma_start3A_136] : memref<82x128xi32, #tpu.memory_space<vmem>> -> memref<1x128xi32, #tpu.memory_space<vmem>>
      %dma_start3A_138 = tpu.memref_squeeze %dma_start3A_137 : memref<1x128xi32, #tpu.memory_space<vmem>> -> memref<128xi32, #tpu.memory_space<vmem>>
      %dma_start3A_139 = arith.constant 0 : i32
      %dma_start3A_140 = arith.constant 0 : i32
      %dma_start3A_141 = tpu.memref_slice %arg2[%dma_start3A_139, %dma_start3A_140] : memref<10000x128xf32, #tpu.memory_space<hbm>> -> memref<10000x128xf32, #tpu.memory_space<hbm>>
      tpu.enqueue_indirect_dma source(%dma_start3A_141 : memref<10000x128xf32, #tpu.memory_space<hbm>>) target(%arg11 : memref<128x128xf32, #tpu.memory_space<vmem>>) offsets(%dma_start3A_138 : memref<128xi32, #tpu.memory_space<vmem>>) semaphore(%arg13 : memref<!tpu.dma_semaphore, #tpu.memory_space<semaphore_mem>>)
    }
    %scan3A_36 = arith.constant 40 : i32
    %dma_wait3A = arith.constant 80 : i32
    %dma_wait3A_37 = arith.constant 0 : i32
    %dma_wait3A_38 = tpu.memref_slice %arg7[%dma_wait3A, %dma_wait3A_37] : memref<82x128xi32, #tpu.memory_space<vmem>> -> memref<1x128xi32, #tpu.memory_space<vmem>>
    %dma_wait3A_39 = tpu.memref_squeeze %dma_wait3A_38 : memref<1x128xi32, #tpu.memory_space<vmem>> -> memref<128xi32, #tpu.memory_space<vmem>>
    %dma_wait3A_40 = arith.constant 0 : i32
    %dma_wait3A_41 = arith.constant 0 : i32
    %dma_wait3A_42 = tpu.memref_slice %arg2[%dma_wait3A_40, %dma_wait3A_41] : memref<10000x128xf32, #tpu.memory_space<hbm>> -> memref<10000x128xf32, #tpu.memory_space<hbm>>
    tpu.wait_indirect_dma semaphore(%arg12 : memref<!tpu.dma_semaphore, #tpu.memory_space<semaphore_mem>>) src(%dma_wait3A_42 : memref<10000x128xf32, #tpu.memory_space<hbm>>) dst(%arg10 : memref<128x128xf32, #tpu.memory_space<vmem>>)
    %dma_wait3A_43 = arith.constant 81 : i32
    %dma_wait3A_44 = arith.constant 0 : i32
    %dma_wait3A_45 = tpu.memref_slice %arg7[%dma_wait3A_43, %dma_wait3A_44] : memref<82x128xi32, #tpu.memory_space<vmem>> -> memref<1x128xi32, #tpu.memory_space<vmem>>
    %dma_wait3A_46 = tpu.memref_squeeze %dma_wait3A_45 : memref<1x128xi32, #tpu.memory_space<vmem>> -> memref<128xi32, #tpu.memory_space<vmem>>
    %dma_wait3A_47 = arith.constant 0 : i32
    %dma_wait3A_48 = arith.constant 0 : i32
    %dma_wait3A_49 = tpu.memref_slice %arg2[%dma_wait3A_47, %dma_wait3A_48] : memref<10000x128xf32, #tpu.memory_space<hbm>> -> memref<10000x128xf32, #tpu.memory_space<hbm>>
    tpu.wait_indirect_dma semaphore(%arg13 : memref<!tpu.dma_semaphore, #tpu.memory_space<semaphore_mem>>) src(%dma_wait3A_49 : memref<10000x128xf32, #tpu.memory_space<hbm>>) dst(%arg11 : memref<128x128xf32, #tpu.memory_space<vmem>>)
    %add3A_50 = arith.constant 80 : i32
    %add3A_51 = arith.addi %mul3A_2, %add3A_50 : i32
    %dma_wait3A_52 = arith.constant 0 : i32
    %dma_wait3A_53 = tpu.memref_slice %arg4[%add3A_51, %dma_wait3A_52] : memref<2562x128xi32, #tpu.memory_space<hbm>> -> memref<1x128xi32, #tpu.memory_space<hbm>>
    %dma_wait3A_54 = tpu.memref_squeeze %dma_wait3A_53 : memref<1x128xi32, #tpu.memory_space<hbm>> -> memref<128xi32, #tpu.memory_space<hbm>>
    %dma_wait3A_55 = arith.constant 0 : i32
    %dma_wait3A_56 = tpu.memref_slice %arg4[%add3A_51, %dma_wait3A_55] : memref<2562x128xi32, #tpu.memory_space<hbm>> -> memref<1x128xi32, #tpu.memory_space<hbm>>
    %dma_wait3A_57 = tpu.memref_squeeze %dma_wait3A_56 : memref<1x128xi32, #tpu.memory_space<hbm>> -> memref<128xi32, #tpu.memory_space<hbm>>
    tpu.wait_dma2 semaphore(%arg14 : memref<!tpu.dma_semaphore, #tpu.memory_space<semaphore_mem>>) src(%dma_wait3A_57 : memref<128xi32, #tpu.memory_space<hbm>>) dst(%arg8 : memref<128xi32, #tpu.memory_space<vmem>>)
    %add3A_58 = arith.constant 80 : i32
    %add3A_59 = arith.addi %mul3A_2, %add3A_58 : i32
    %add3A_60 = arith.constant 1 : i32
    %add3A_61 = arith.addi %add3A_59, %add3A_60 : i32
    %dma_wait3A_62 = arith.constant 0 : i32
    %dma_wait3A_63 = tpu.memref_slice %arg4[%add3A_61, %dma_wait3A_62] : memref<2562x128xi32, #tpu.memory_space<hbm>> -> memref<1x128xi32, #tpu.memory_space<hbm>>
    %dma_wait3A_64 = tpu.memref_squeeze %dma_wait3A_63 : memref<1x128xi32, #tpu.memory_space<hbm>> -> memref<128xi32, #tpu.memory_space<hbm>>
    %dma_wait3A_65 = arith.constant 0 : i32
    %dma_wait3A_66 = tpu.memref_slice %arg4[%add3A_61, %dma_wait3A_65] : memref<2562x128xi32, #tpu.memory_space<hbm>> -> memref<1x128xi32, #tpu.memory_space<hbm>>
    %dma_wait3A_67 = tpu.memref_squeeze %dma_wait3A_66 : memref<1x128xi32, #tpu.memory_space<hbm>> -> memref<128xi32, #tpu.memory_space<hbm>>
    tpu.wait_dma2 semaphore(%arg15 : memref<!tpu.dma_semaphore, #tpu.memory_space<semaphore_mem>>) src(%dma_wait3A_67 : memref<128xi32, #tpu.memory_space<hbm>>) dst(%arg9 : memref<128xi32, #tpu.memory_space<vmem>>)
    %barrier3A_68 = arith.constant 0 : index
    tpu.barrier barrier_id(%barrier3A_68)
    %lt3A = arith.constant 15 : i32
    %lt3A_69 = arith.cmpi slt, %arg1, %lt3A : i32
    %convert_element_type3A = arith.extui %lt3A_69 : i1 to i32
    %cond3A = arith.constant 0 : i32
    %cond3A_70 = arith.cmpi ne, %convert_element_type3A, %cond3A : i32
    scf.if %cond3A_70 {
      %mul3A_75 = arith.constant 640 : i32
      %mul3A_76 = arith.muli %arg1, %mul3A_75 : i32
      %mul3A_77 = arith.constant 640 : i32
      %mul3A_78 = arith.muli %arg1, %mul3A_77 : i32
      "tpu.region"() ({
        %run_scoped3A = tpu.sem_alloc : memref<!tpu.dma_semaphore, #tpu.memory_space<semaphore_mem>>
        %dma_start3A_79 = arith.constant 0 : i32
        %dma_start3A_80 = tpu.memref_slice %arg6[%arg0, %mul3A_78, %dma_start3A_79] : memref<2x10000x128xf32, #tpu.memory_space<hbm>> -> memref<1x640x128xf32, #tpu.memory_space<hbm>>
        %dma_start3A_81 = tpu.memref_squeeze %dma_start3A_80 : memref<1x640x128xf32, #tpu.memory_space<hbm>> -> memref<640x128xf32, #tpu.memory_space<hbm>>
        %dma_start3A_82 = arith.constant 0 : i32
        %dma_start3A_83 = tpu.memref_slice %arg16[%mul3A_76, %dma_start3A_82] : memref<10240x128xf32, #tpu.memory_space<vmem_shared>> -> memref<640x128xf32, #tpu.memory_space<vmem_shared>>
        tpu.enqueue_dma source(%dma_start3A_83 : memref<640x128xf32, #tpu.memory_space<vmem_shared>>) target(%dma_start3A_81 : memref<640x128xf32, #tpu.memory_space<hbm>>) target_semaphore(%run_scoped3A : memref<!tpu.dma_semaphore, #tpu.memory_space<semaphore_mem>>)
        %dma_wait3A_84 = arith.constant 0 : i32
        %dma_wait3A_85 = tpu.memref_slice %arg6[%arg0, %mul3A_78, %dma_wait3A_84] : memref<2x10000x128xf32, #tpu.memory_space<hbm>> -> memref<1x640x128xf32, #tpu.memory_space<hbm>>
        %dma_wait3A_86 = tpu.memref_squeeze %dma_wait3A_85 : memref<1x640x128xf32, #tpu.memory_space<hbm>> -> memref<640x128xf32, #tpu.memory_space<hbm>>
        %dma_wait3A_87 = arith.constant 0 : i32
        %dma_wait3A_88 = tpu.memref_slice %arg16[%mul3A_76, %dma_wait3A_87] : memref<10240x128xf32, #tpu.memory_space<vmem_shared>> -> memref<640x128xf32, #tpu.memory_space<vmem_shared>>
        tpu.wait_dma2 semaphore(%run_scoped3A : memref<!tpu.dma_semaphore, #tpu.memory_space<semaphore_mem>>) src(%dma_wait3A_88 : memref<640x128xf32, #tpu.memory_space<vmem_shared>>) dst(%dma_wait3A_86 : memref<640x128xf32, #tpu.memory_space<hbm>>)
        tpu.yield
      }) : () -> ()
    } else {
    }
    %eq3A = arith.constant 15 : i32
    %eq3A_71 = arith.cmpi eq, %arg1, %eq3A : i32
    %convert_element_type3A_72 = arith.extui %eq3A_71 : i1 to i32
    %cond3A_73 = arith.constant 0 : i32
    %cond3A_74 = arith.cmpi ne, %convert_element_type3A_72, %cond3A_73 : i32
    scf.if %cond3A_74 {
      "tpu.region"() ({
        %run_scoped3A = tpu.sem_alloc : memref<!tpu.dma_semaphore, #tpu.memory_space<semaphore_mem>>
        %dma_start3A_75 = arith.constant 9600 : i32
        %dma_start3A_76 = arith.constant 0 : i32
        %dma_start3A_77 = tpu.memref_slice %arg6[%arg0, %dma_start3A_75, %dma_start3A_76] : memref<2x10000x128xf32, #tpu.memory_space<hbm>> -> memref<1x400x128xf32, #tpu.memory_space<hbm>>
        %dma_start3A_78 = tpu.memref_squeeze %dma_start3A_77 : memref<1x400x128xf32, #tpu.memory_space<hbm>> -> memref<400x128xf32, #tpu.memory_space<hbm>>
        %dma_start3A_79 = arith.constant 9600 : i32
        %dma_start3A_80 = arith.constant 0 : i32
        %dma_start3A_81 = tpu.memref_slice %arg16[%dma_start3A_79, %dma_start3A_80] : memref<10240x128xf32, #tpu.memory_space<vmem_shared>> -> memref<400x128xf32, #tpu.memory_space<vmem_shared>>
        tpu.enqueue_dma source(%dma_start3A_81 : memref<400x128xf32, #tpu.memory_space<vmem_shared>>) target(%dma_start3A_78 : memref<400x128xf32, #tpu.memory_space<hbm>>) target_semaphore(%run_scoped3A : memref<!tpu.dma_semaphore, #tpu.memory_space<semaphore_mem>>)
        %dma_wait3A_82 = arith.constant 9600 : i32
        %dma_wait3A_83 = arith.constant 0 : i32
        %dma_wait3A_84 = tpu.memref_slice %arg6[%arg0, %dma_wait3A_82, %dma_wait3A_83] : memref<2x10000x128xf32, #tpu.memory_space<hbm>> -> memref<1x400x128xf32, #tpu.memory_space<hbm>>
        %dma_wait3A_85 = tpu.memref_squeeze %dma_wait3A_84 : memref<1x400x128xf32, #tpu.memory_space<hbm>> -> memref<400x128xf32, #tpu.memory_space<hbm>>
        %dma_wait3A_86 = arith.constant 9600 : i32
        %dma_wait3A_87 = arith.constant 0 : i32
        %dma_wait3A_88 = tpu.memref_slice %arg16[%dma_wait3A_86, %dma_wait3A_87] : memref<10240x128xf32, #tpu.memory_space<vmem_shared>> -> memref<400x128xf32, #tpu.memory_space<vmem_shared>>
        tpu.wait_dma2 semaphore(%run_scoped3A : memref<!tpu.dma_semaphore, #tpu.memory_space<semaphore_mem>>) src(%dma_wait3A_88 : memref<400x128xf32, #tpu.memory_space<vmem_shared>>) dst(%dma_wait3A_85 : memref<400x128xf32, #tpu.memory_space<hbm>>)
        tpu.yield
      }) : () -> ()
    } else {
    }
    return
  }
}

#map = affine_map<(d0, d1) -> (0, 0)>
#map1 = affine_map<(d0, d1) -> (0, 0, 0)>
module attributes {stable_mosaic.version = 14 : i64} {
  func.func @_seg_sum_body(%arg0: i32, %arg1: i32, %arg2: memref<10000x128xf32, #tpu.memory_space<hbm>>, %arg3: memref<32x82x128xi32, #tpu.memory_space<hbm>>, %arg4: memref<2562x128xi32, #tpu.memory_space<hbm>>, %arg5: memref<640x128xf32, #tpu.memory_space<hbm>>, %arg6: memref<2x10000x128xf32, #tpu.memory_space<hbm>>, %arg7: memref<82x128xi32, #tpu.memory_space<vmem>>, %arg8: memref<128xi32, #tpu.memory_space<vmem>>, %arg9: memref<128xi32, #tpu.memory_space<vmem>>, %arg10: memref<128x128xf32, #tpu.memory_space<vmem>>, %arg11: memref<128x128xf32, #tpu.memory_space<vmem>>, %arg12: memref<!tpu.dma_semaphore, #tpu.memory_space<semaphore_mem>>, %arg13: memref<!tpu.dma_semaphore, #tpu.memory_space<semaphore_mem>>, %arg14: memref<!tpu.dma_semaphore, #tpu.memory_space<semaphore_mem>>, %arg15: memref<!tpu.dma_semaphore, #tpu.memory_space<semaphore_mem>>, %arg16: memref<10240x128xf32, #tpu.memory_space<vmem_shared>>) attributes {dimension_semantics = [#tpu.dimension_semantics<core_parallel>, #tpu.dimension_semantics<subcore_parallel>], iteration_bounds = array<i64: 2, 16>, scalar_prefetch = 0 : i64, scratch_operands = 10 : i64, tpu.core_type = #tpu.core_type<sc_vector_subcore>, window_params = [{transform_indices = #map}, {transform_indices = #map1}, {transform_indices = #map}, {transform_indices = #map}, {transform_indices = #map1}]} {
    %mul3A = arith.constant 16 : i32
    %mul3A_0 = arith.muli %arg0, %mul3A : i32
    %add3A = arith.addi %mul3A_0, %arg1 : i32
    %mul3A_1 = arith.constant 80 : i32
    %mul3A_2 = arith.muli %add3A, %mul3A_1 : i32
    "tpu.region"() ({
      %run_scoped3A = tpu.sem_alloc : memref<!tpu.dma_semaphore, #tpu.memory_space<semaphore_mem>>
      %dma_start3A_75 = arith.constant 0 : i32
      %dma_start3A_76 = arith.constant 0 : i32
      %dma_start3A_77 = tpu.memref_slice %arg3[%add3A, %dma_start3A_75, %dma_start3A_76] : memref<32x82x128xi32, #tpu.memory_space<hbm>> -> memref<1x82x128xi32, #tpu.memory_space<hbm>>
      %dma_start3A_78 = tpu.memref_squeeze %dma_start3A_77 : memref<1x82x128xi32, #tpu.memory_space<hbm>> -> memref<82x128xi32, #tpu.memory_space<hbm>>
      %dma_start3A_79 = arith.constant 0 : i32
      %dma_start3A_80 = arith.constant 0 : i32
      %dma_start3A_81 = tpu.memref_slice %arg3[%add3A, %dma_start3A_79, %dma_start3A_80] : memref<32x82x128xi32, #tpu.memory_space<hbm>> -> memref<1x82x128xi32, #tpu.memory_space<hbm>>
      %dma_start3A_82 = tpu.memref_squeeze %dma_start3A_81 : memref<1x82x128xi32, #tpu.memory_space<hbm>> -> memref<82x128xi32, #tpu.memory_space<hbm>>
      tpu.enqueue_dma source(%dma_start3A_82 : memref<82x128xi32, #tpu.memory_space<hbm>>) target(%arg7 : memref<82x128xi32, #tpu.memory_space<vmem>>) target_semaphore(%run_scoped3A : memref<!tpu.dma_semaphore, #tpu.memory_space<semaphore_mem>>)
      %dma_wait3A_83 = arith.constant 0 : i32
      %dma_wait3A_84 = arith.constant 0 : i32
      %dma_wait3A_85 = tpu.memref_slice %arg3[%add3A, %dma_wait3A_83, %dma_wait3A_84] : memref<32x82x128xi32, #tpu.memory_space<hbm>> -> memref<1x82x128xi32, #tpu.memory_space<hbm>>
      %dma_wait3A_86 = tpu.memref_squeeze %dma_wait3A_85 : memref<1x82x128xi32, #tpu.memory_space<hbm>> -> memref<82x128xi32, #tpu.memory_space<hbm>>
      %dma_wait3A_87 = arith.constant 0 : i32
      %dma_wait3A_88 = arith.constant 0 : i32
      %dma_wait3A_89 = tpu.memref_slice %arg3[%add3A, %dma_wait3A_87, %dma_wait3A_88] : memref<32x82x128xi32, #tpu.memory_space<hbm>> -> memref<1x82x128xi32, #tpu.memory_space<hbm>>
      %dma_wait3A_90 = tpu.memref_squeeze %dma_wait3A_89 : memref<1x82x128xi32, #tpu.memory_space<hbm>> -> memref<82x128xi32, #tpu.memory_space<hbm>>
      tpu.wait_dma2 semaphore(%run_scoped3A : memref<!tpu.dma_semaphore, #tpu.memory_space<semaphore_mem>>) src(%dma_wait3A_90 : memref<82x128xi32, #tpu.memory_space<hbm>>) dst(%arg7 : memref<82x128xi32, #tpu.memory_space<vmem>>)
      tpu.yield
    }) : () -> ()
    %mul3A_3 = arith.constant 640 : i32
    %mul3A_4 = arith.muli %arg1, %mul3A_3 : i32
    "tpu.region"() ({
      %run_scoped3A = tpu.sem_alloc : memref<!tpu.dma_semaphore, #tpu.memory_space<semaphore_mem>>
      %dma_start3A_75 = arith.constant 0 : i32
      %dma_start3A_76 = tpu.memref_slice %arg16[%mul3A_4, %dma_start3A_75] : memref<10240x128xf32, #tpu.memory_space<vmem_shared>> -> memref<640x128xf32, #tpu.memory_space<vmem_shared>>
      tpu.enqueue_dma source(%arg5 : memref<640x128xf32, #tpu.memory_space<hbm>>) target(%dma_start3A_76 : memref<640x128xf32, #tpu.memory_space<vmem_shared>>) target_semaphore(%run_scoped3A : memref<!tpu.dma_semaphore, #tpu.memory_space<semaphore_mem>>)
      %dma_wait3A_77 = arith.constant 0 : i32
      %dma_wait3A_78 = tpu.memref_slice %arg16[%mul3A_4, %dma_wait3A_77] : memref<10240x128xf32, #tpu.memory_space<vmem_shared>> -> memref<640x128xf32, #tpu.memory_space<vmem_shared>>
      tpu.wait_dma2 semaphore(%run_scoped3A : memref<!tpu.dma_semaphore, #tpu.memory_space<semaphore_mem>>) src(%arg5 : memref<640x128xf32, #tpu.memory_space<hbm>>) dst(%dma_wait3A_78 : memref<640x128xf32, #tpu.memory_space<vmem_shared>>)
      tpu.yield
    }) : () -> ()
    %barrier3A = arith.constant 0 : index
    tpu.barrier barrier_id(%barrier3A)
    %dma_start3A = arith.constant 0 : i32
    %dma_start3A_5 = tpu.memref_slice %arg4[%mul3A_2, %dma_start3A] : memref<2562x128xi32, #tpu.memory_space<hbm>> -> memref<1x128xi32, #tpu.memory_space<hbm>>
    %dma_start3A_6 = tpu.memref_squeeze %dma_start3A_5 : memref<1x128xi32, #tpu.memory_space<hbm>> -> memref<128xi32, #tpu.memory_space<hbm>>
    %dma_start3A_7 = arith.constant 0 : i32
    %dma_start3A_8 = tpu.memref_slice %arg4[%mul3A_2, %dma_start3A_7] : memref<2562x128xi32, #tpu.memory_space<hbm>> -> memref<1x128xi32, #tpu.memory_space<hbm>>
    %dma_start3A_9 = tpu.memref_squeeze %dma_start3A_8 : memref<1x128xi32, #tpu.memory_space<hbm>> -> memref<128xi32, #tpu.memory_space<hbm>>
    tpu.enqueue_dma source(%dma_start3A_9 : memref<128xi32, #tpu.memory_space<hbm>>) target(%arg8 : memref<128xi32, #tpu.memory_space<vmem>>) target_semaphore(%arg14 : memref<!tpu.dma_semaphore, #tpu.memory_space<semaphore_mem>>)
    %add3A_10 = arith.constant 1 : i32
    %add3A_11 = arith.addi %mul3A_2, %add3A_10 : i32
    %dma_start3A_12 = arith.constant 0 : i32
    %dma_start3A_13 = tpu.memref_slice %arg4[%add3A_11, %dma_start3A_12] : memref<2562x128xi32, #tpu.memory_space<hbm>> -> memref<1x128xi32, #tpu.memory_space<hbm>>
    %dma_start3A_14 = tpu.memref_squeeze %dma_start3A_13 : memref<1x128xi32, #tpu.memory_space<hbm>> -> memref<128xi32, #tpu.memory_space<hbm>>
    %dma_start3A_15 = arith.constant 0 : i32
    %dma_start3A_16 = tpu.memref_slice %arg4[%add3A_11, %dma_start3A_15] : memref<2562x128xi32, #tpu.memory_space<hbm>> -> memref<1x128xi32, #tpu.memory_space<hbm>>
    %dma_start3A_17 = tpu.memref_squeeze %dma_start3A_16 : memref<1x128xi32, #tpu.memory_space<hbm>> -> memref<128xi32, #tpu.memory_space<hbm>>
    tpu.enqueue_dma source(%dma_start3A_17 : memref<128xi32, #tpu.memory_space<hbm>>) target(%arg9 : memref<128xi32, #tpu.memory_space<vmem>>) target_semaphore(%arg15 : memref<!tpu.dma_semaphore, #tpu.memory_space<semaphore_mem>>)
    %dma_start3A_18 = arith.constant 0 : i32
    %dma_start3A_19 = arith.constant 0 : i32
    %dma_start3A_20 = tpu.memref_slice %arg7[%dma_start3A_18, %dma_start3A_19] : memref<82x128xi32, #tpu.memory_space<vmem>> -> memref<1x128xi32, #tpu.memory_space<vmem>>
    %dma_start3A_21 = tpu.memref_squeeze %dma_start3A_20 : memref<1x128xi32, #tpu.memory_space<vmem>> -> memref<128xi32, #tpu.memory_space<vmem>>
    %dma_start3A_22 = arith.constant 0 : i32
    %dma_start3A_23 = arith.constant 0 : i32
    %dma_start3A_24 = tpu.memref_slice %arg2[%dma_start3A_22, %dma_start3A_23] : memref<10000x128xf32, #tpu.memory_space<hbm>> -> memref<10000x128xf32, #tpu.memory_space<hbm>>
    tpu.enqueue_indirect_dma source(%dma_start3A_24 : memref<10000x128xf32, #tpu.memory_space<hbm>>) target(%arg10 : memref<128x128xf32, #tpu.memory_space<vmem>>) offsets(%dma_start3A_21 : memref<128xi32, #tpu.memory_space<vmem>>) semaphore(%arg12 : memref<!tpu.dma_semaphore, #tpu.memory_space<semaphore_mem>>)
    %dma_start3A_25 = arith.constant 1 : i32
    %dma_start3A_26 = arith.constant 0 : i32
    %dma_start3A_27 = tpu.memref_slice %arg7[%dma_start3A_25, %dma_start3A_26] : memref<82x128xi32, #tpu.memory_space<vmem>> -> memref<1x128xi32, #tpu.memory_space<vmem>>
    %dma_start3A_28 = tpu.memref_squeeze %dma_start3A_27 : memref<1x128xi32, #tpu.memory_space<vmem>> -> memref<128xi32, #tpu.memory_space<vmem>>
    %dma_start3A_29 = arith.constant 0 : i32
    %dma_start3A_30 = arith.constant 0 : i32
    %dma_start3A_31 = tpu.memref_slice %arg2[%dma_start3A_29, %dma_start3A_30] : memref<10000x128xf32, #tpu.memory_space<hbm>> -> memref<10000x128xf32, #tpu.memory_space<hbm>>
    tpu.enqueue_indirect_dma source(%dma_start3A_31 : memref<10000x128xf32, #tpu.memory_space<hbm>>) target(%arg11 : memref<128x128xf32, #tpu.memory_space<vmem>>) offsets(%dma_start3A_28 : memref<128xi32, #tpu.memory_space<vmem>>) semaphore(%arg13 : memref<!tpu.dma_semaphore, #tpu.memory_space<semaphore_mem>>)
    %scan3A = arith.constant 0 : i32
    %scan3A_32 = arith.constant 0 : i32
    %scan3A_33 = arith.constant 40 : i32
    %scan3A_34 = arith.addi %scan3A_32, %scan3A_33 : i32
    %scan3A_35 = arith.constant 1 : i32
    scf.for %scan3A_75 = %scan3A_32 to %scan3A_34 step %scan3A_35  : i32 {
      %mul3A_76 = arith.constant 2 : i32
      %mul3A_77 = arith.muli %mul3A_76, %scan3A_75 : i32
      %dma_wait3A_78 = arith.constant 0 : i32
      %dma_wait3A_79 = tpu.memref_slice %arg7[%mul3A_77, %dma_wait3A_78] : memref<82x128xi32, #tpu.memory_space<vmem>> -> memref<1x128xi32, #tpu.memory_space<vmem>>
      %dma_wait3A_80 = tpu.memref_squeeze %dma_wait3A_79 : memref<1x128xi32, #tpu.memory_space<vmem>> -> memref<128xi32, #tpu.memory_space<vmem>>
      %dma_wait3A_81 = arith.constant 0 : i32
      %dma_wait3A_82 = arith.constant 0 : i32
      %dma_wait3A_83 = tpu.memref_slice %arg2[%dma_wait3A_81, %dma_wait3A_82] : memref<10000x128xf32, #tpu.memory_space<hbm>> -> memref<10000x128xf32, #tpu.memory_space<hbm>>
      tpu.wait_indirect_dma semaphore(%arg12 : memref<!tpu.dma_semaphore, #tpu.memory_space<semaphore_mem>>) src(%dma_wait3A_83 : memref<10000x128xf32, #tpu.memory_space<hbm>>) dst(%arg10 : memref<128x128xf32, #tpu.memory_space<vmem>>)
      %add3A_84 = arith.addi %mul3A_2, %mul3A_77 : i32
      %dma_wait3A_85 = arith.constant 0 : i32
      %dma_wait3A_86 = tpu.memref_slice %arg4[%add3A_84, %dma_wait3A_85] : memref<2562x128xi32, #tpu.memory_space<hbm>> -> memref<1x128xi32, #tpu.memory_space<hbm>>
      %dma_wait3A_87 = tpu.memref_squeeze %dma_wait3A_86 : memref<1x128xi32, #tpu.memory_space<hbm>> -> memref<128xi32, #tpu.memory_space<hbm>>
      %dma_wait3A_88 = arith.constant 0 : i32
      %dma_wait3A_89 = tpu.memref_slice %arg4[%add3A_84, %dma_wait3A_88] : memref<2562x128xi32, #tpu.memory_space<hbm>> -> memref<1x128xi32, #tpu.memory_space<hbm>>
      %dma_wait3A_90 = tpu.memref_squeeze %dma_wait3A_89 : memref<1x128xi32, #tpu.memory_space<hbm>> -> memref<128xi32, #tpu.memory_space<hbm>>
      tpu.wait_dma2 semaphore(%arg14 : memref<!tpu.dma_semaphore, #tpu.memory_space<semaphore_mem>>) src(%dma_wait3A_90 : memref<128xi32, #tpu.memory_space<hbm>>) dst(%arg8 : memref<128xi32, #tpu.memory_space<vmem>>)
      "tpu.region"() ({
        %run_scoped3A = tpu.sem_alloc : memref<!tpu.dma_semaphore, #tpu.memory_space<semaphore_mem>>
        %dma_start3A_142 = arith.constant 0 : i32
        %dma_start3A_143 = arith.constant 0 : i32
        %dma_start3A_144 = tpu.memref_slice %arg16[%dma_start3A_142, %dma_start3A_143] : memref<10240x128xf32, #tpu.memory_space<vmem_shared>> -> memref<10240x128xf32, #tpu.memory_space<vmem_shared>>
        tpu.enqueue_indirect_dma source(%arg10 : memref<128x128xf32, #tpu.memory_space<vmem>>) target(%dma_start3A_144 : memref<10240x128xf32, #tpu.memory_space<vmem_shared>>) offsets(%arg8 : memref<128xi32, #tpu.memory_space<vmem>>) semaphore(%run_scoped3A : memref<!tpu.dma_semaphore, #tpu.memory_space<semaphore_mem>>) {add = true}
        %dma_wait3A_145 = arith.constant 0 : i32
        %dma_wait3A_146 = arith.constant 0 : i32
        %dma_wait3A_147 = tpu.memref_slice %arg16[%dma_wait3A_145, %dma_wait3A_146] : memref<10240x128xf32, #tpu.memory_space<vmem_shared>> -> memref<10240x128xf32, #tpu.memory_space<vmem_shared>>
        tpu.wait_indirect_dma semaphore(%run_scoped3A : memref<!tpu.dma_semaphore, #tpu.memory_space<semaphore_mem>>) src(%arg10 : memref<128x128xf32, #tpu.memory_space<vmem>>) dst(%dma_wait3A_147 : memref<10240x128xf32, #tpu.memory_space<vmem_shared>>)
        tpu.yield
      }) : () -> ()
      %add3A_91 = arith.addi %mul3A_2, %mul3A_77 : i32
      %add3A_92 = arith.constant 2 : i32
      %add3A_93 = arith.addi %add3A_91, %add3A_92 : i32
      %dma_start3A_94 = arith.constant 0 : i32
      %dma_start3A_95 = tpu.memref_slice %arg4[%add3A_93, %dma_start3A_94] : memref<2562x128xi32, #tpu.memory_space<hbm>> -> memref<1x128xi32, #tpu.memory_space<hbm>>
      %dma_start3A_96 = tpu.memref_squeeze %dma_start3A_95 : memref<1x128xi32, #tpu.memory_space<hbm>> -> memref<128xi32, #tpu.memory_space<hbm>>
      %dma_start3A_97 = arith.constant 0 : i32
      %dma_start3A_98 = tpu.memref_slice %arg4[%add3A_93, %dma_start3A_97] : memref<2562x128xi32, #tpu.memory_space<hbm>> -> memref<1x128xi32, #tpu.memory_space<hbm>>
      %dma_start3A_99 = tpu.memref_squeeze %dma_start3A_98 : memref<1x128xi32, #tpu.memory_space<hbm>> -> memref<128xi32, #tpu.memory_space<hbm>>
      tpu.enqueue_dma source(%dma_start3A_99 : memref<128xi32, #tpu.memory_space<hbm>>) target(%arg8 : memref<128xi32, #tpu.memory_space<vmem>>) target_semaphore(%arg14 : memref<!tpu.dma_semaphore, #tpu.memory_space<semaphore_mem>>)
      %add3A_100 = arith.constant 2 : i32
      %add3A_101 = arith.addi %mul3A_77, %add3A_100 : i32
      %dma_start3A_102 = arith.constant 0 : i32
      %dma_start3A_103 = tpu.memref_slice %arg7[%add3A_101, %dma_start3A_102] : memref<82x128xi32, #tpu.memory_space<vmem>> -> memref<1x128xi32, #tpu.memory_space<vmem>>
      %dma_start3A_104 = tpu.memref_squeeze %dma_start3A_103 : memref<1x128xi32, #tpu.memory_space<vmem>> -> memref<128xi32, #tpu.memory_space<vmem>>
      %dma_start3A_105 = arith.constant 0 : i32
      %dma_start3A_106 = arith.constant 0 : i32
      %dma_start3A_107 = tpu.memref_slice %arg2[%dma_start3A_105, %dma_start3A_106] : memref<10000x128xf32, #tpu.memory_space<hbm>> -> memref<10000x128xf32, #tpu.memory_space<hbm>>
      tpu.enqueue_indirect_dma source(%dma_start3A_107 : memref<10000x128xf32, #tpu.memory_space<hbm>>) target(%arg10 : memref<128x128xf32, #tpu.memory_space<vmem>>) offsets(%dma_start3A_104 : memref<128xi32, #tpu.memory_space<vmem>>) semaphore(%arg12 : memref<!tpu.dma_semaphore, #tpu.memory_space<semaphore_mem>>)
      %add3A_108 = arith.constant 1 : i32
      %add3A_109 = arith.addi %mul3A_77, %add3A_108 : i32
      %dma_wait3A_110 = arith.constant 0 : i32
      %dma_wait3A_111 = tpu.memref_slice %arg7[%add3A_109, %dma_wait3A_110] : memref<82x128xi32, #tpu.memory_space<vmem>> -> memref<1x128xi32, #tpu.memory_space<vmem>>
      %dma_wait3A_112 = tpu.memref_squeeze %dma_wait3A_111 : memref<1x128xi32, #tpu.memory_space<vmem>> -> memref<128xi32, #tpu.memory_space<vmem>>
      %dma_wait3A_113 = arith.constant 0 : i32
      %dma_wait3A_114 = arith.constant 0 : i32
      %dma_wait3A_115 = tpu.memref_slice %arg2[%dma_wait3A_113, %dma_wait3A_114] : memref<10000x128xf32, #tpu.memory_space<hbm>> -> memref<10000x128xf32, #tpu.memory_space<hbm>>
      tpu.wait_indirect_dma semaphore(%arg13 : memref<!tpu.dma_semaphore, #tpu.memory_space<semaphore_mem>>) src(%dma_wait3A_115 : memref<10000x128xf32, #tpu.memory_space<hbm>>) dst(%arg11 : memref<128x128xf32, #tpu.memory_space<vmem>>)
      %add3A_116 = arith.addi %mul3A_2, %mul3A_77 : i32
      %add3A_117 = arith.constant 1 : i32
      %add3A_118 = arith.addi %add3A_116, %add3A_117 : i32
      %dma_wait3A_119 = arith.constant 0 : i32
      %dma_wait3A_120 = tpu.memref_slice %arg4[%add3A_118, %dma_wait3A_119] : memref<2562x128xi32, #tpu.memory_space<hbm>> -> memref<1x128xi32, #tpu.memory_space<hbm>>
      %dma_wait3A_121 = tpu.memref_squeeze %dma_wait3A_120 : memref<1x128xi32, #tpu.memory_space<hbm>> -> memref<128xi32, #tpu.memory_space<hbm>>
      %dma_wait3A_122 = arith.constant 0 : i32
      %dma_wait3A_123 = tpu.memref_slice %arg4[%add3A_118, %dma_wait3A_122] : memref<2562x128xi32, #tpu.memory_space<hbm>> -> memref<1x128xi32, #tpu.memory_space<hbm>>
      %dma_wait3A_124 = tpu.memref_squeeze %dma_wait3A_123 : memref<1x128xi32, #tpu.memory_space<hbm>> -> memref<128xi32, #tpu.memory_space<hbm>>
      tpu.wait_dma2 semaphore(%arg15 : memref<!tpu.dma_semaphore, #tpu.memory_space<semaphore_mem>>) src(%dma_wait3A_124 : memref<128xi32, #tpu.memory_space<hbm>>) dst(%arg9 : memref<128xi32, #tpu.memory_space<vmem>>)
      "tpu.region"() ({
        %run_scoped3A = tpu.sem_alloc : memref<!tpu.dma_semaphore, #tpu.memory_space<semaphore_mem>>
        %dma_start3A_142 = arith.constant 0 : i32
        %dma_start3A_143 = arith.constant 0 : i32
        %dma_start3A_144 = tpu.memref_slice %arg16[%dma_start3A_142, %dma_start3A_143] : memref<10240x128xf32, #tpu.memory_space<vmem_shared>> -> memref<10240x128xf32, #tpu.memory_space<vmem_shared>>
        tpu.enqueue_indirect_dma source(%arg11 : memref<128x128xf32, #tpu.memory_space<vmem>>) target(%dma_start3A_144 : memref<10240x128xf32, #tpu.memory_space<vmem_shared>>) offsets(%arg9 : memref<128xi32, #tpu.memory_space<vmem>>) semaphore(%run_scoped3A : memref<!tpu.dma_semaphore, #tpu.memory_space<semaphore_mem>>) {add = true}
        %dma_wait3A_145 = arith.constant 0 : i32
        %dma_wait3A_146 = arith.constant 0 : i32
        %dma_wait3A_147 = tpu.memref_slice %arg16[%dma_wait3A_145, %dma_wait3A_146] : memref<10240x128xf32, #tpu.memory_space<vmem_shared>> -> memref<10240x128xf32, #tpu.memory_space<vmem_shared>>
        tpu.wait_indirect_dma semaphore(%run_scoped3A : memref<!tpu.dma_semaphore, #tpu.memory_space<semaphore_mem>>) src(%arg11 : memref<128x128xf32, #tpu.memory_space<vmem>>) dst(%dma_wait3A_147 : memref<10240x128xf32, #tpu.memory_space<vmem_shared>>)
        tpu.yield
      }) : () -> ()
      %add3A_125 = arith.addi %mul3A_2, %mul3A_77 : i32
      %add3A_126 = arith.constant 3 : i32
      %add3A_127 = arith.addi %add3A_125, %add3A_126 : i32
      %dma_start3A_128 = arith.constant 0 : i32
      %dma_start3A_129 = tpu.memref_slice %arg4[%add3A_127, %dma_start3A_128] : memref<2562x128xi32, #tpu.memory_space<hbm>> -> memref<1x128xi32, #tpu.memory_space<hbm>>
      %dma_start3A_130 = tpu.memref_squeeze %dma_start3A_129 : memref<1x128xi32, #tpu.memory_space<hbm>> -> memref<128xi32, #tpu.memory_space<hbm>>
      %dma_start3A_131 = arith.constant 0 : i32
      %dma_start3A_132 = tpu.memref_slice %arg4[%add3A_127, %dma_start3A_131] : memref<2562x128xi32, #tpu.memory_space<hbm>> -> memref<1x128xi32, #tpu.memory_space<hbm>>
      %dma_start3A_133 = tpu.memref_squeeze %dma_start3A_132 : memref<1x128xi32, #tpu.memory_space<hbm>> -> memref<128xi32, #tpu.memory_space<hbm>>
      tpu.enqueue_dma source(%dma_start3A_133 : memref<128xi32, #tpu.memory_space<hbm>>) target(%arg9 : memref<128xi32, #tpu.memory_space<vmem>>) target_semaphore(%arg15 : memref<!tpu.dma_semaphore, #tpu.memory_space<semaphore_mem>>)
      %add3A_134 = arith.constant 3 : i32
      %add3A_135 = arith.addi %mul3A_77, %add3A_134 : i32
      %dma_start3A_136 = arith.constant 0 : i32
      %dma_start3A_137 = tpu.memref_slice %arg7[%add3A_135, %dma_start3A_136] : memref<82x128xi32, #tpu.memory_space<vmem>> -> memref<1x128xi32, #tpu.memory_space<vmem>>
      %dma_start3A_138 = tpu.memref_squeeze %dma_start3A_137 : memref<1x128xi32, #tpu.memory_space<vmem>> -> memref<128xi32, #tpu.memory_space<vmem>>
      %dma_start3A_139 = arith.constant 0 : i32
      %dma_start3A_140 = arith.constant 0 : i32
      %dma_start3A_141 = tpu.memref_slice %arg2[%dma_start3A_139, %dma_start3A_140] : memref<10000x128xf32, #tpu.memory_space<hbm>> -> memref<10000x128xf32, #tpu.memory_space<hbm>>
      tpu.enqueue_indirect_dma source(%dma_start3A_141 : memref<10000x128xf32, #tpu.memory_space<hbm>>) target(%arg11 : memref<128x128xf32, #tpu.memory_space<vmem>>) offsets(%dma_start3A_138 : memref<128xi32, #tpu.memory_space<vmem>>) semaphore(%arg13 : memref<!tpu.dma_semaphore, #tpu.memory_space<semaphore_mem>>)
    }
    %scan3A_36 = arith.constant 40 : i32
    %dma_wait3A = arith.constant 80 : i32
    %dma_wait3A_37 = arith.constant 0 : i32
    %dma_wait3A_38 = tpu.memref_slice %arg7[%dma_wait3A, %dma_wait3A_37] : memref<82x128xi32, #tpu.memory_space<vmem>> -> memref<1x128xi32, #tpu.memory_space<vmem>>
    %dma_wait3A_39 = tpu.memref_squeeze %dma_wait3A_38 : memref<1x128xi32, #tpu.memory_space<vmem>> -> memref<128xi32, #tpu.memory_space<vmem>>
    %dma_wait3A_40 = arith.constant 0 : i32
    %dma_wait3A_41 = arith.constant 0 : i32
    %dma_wait3A_42 = tpu.memref_slice %arg2[%dma_wait3A_40, %dma_wait3A_41] : memref<10000x128xf32, #tpu.memory_space<hbm>> -> memref<10000x128xf32, #tpu.memory_space<hbm>>
    tpu.wait_indirect_dma semaphore(%arg12 : memref<!tpu.dma_semaphore, #tpu.memory_space<semaphore_mem>>) src(%dma_wait3A_42 : memref<10000x128xf32, #tpu.memory_space<hbm>>) dst(%arg10 : memref<128x128xf32, #tpu.memory_space<vmem>>)
    %dma_wait3A_43 = arith.constant 81 : i32
    %dma_wait3A_44 = arith.constant 0 : i32
    %dma_wait3A_45 = tpu.memref_slice %arg7[%dma_wait3A_43, %dma_wait3A_44] : memref<82x128xi32, #tpu.memory_space<vmem>> -> memref<1x128xi32, #tpu.memory_space<vmem>>
    %dma_wait3A_46 = tpu.memref_squeeze %dma_wait3A_45 : memref<1x128xi32, #tpu.memory_space<vmem>> -> memref<128xi32, #tpu.memory_space<vmem>>
    %dma_wait3A_47 = arith.constant 0 : i32
    %dma_wait3A_48 = arith.constant 0 : i32
    %dma_wait3A_49 = tpu.memref_slice %arg2[%dma_wait3A_47, %dma_wait3A_48] : memref<10000x128xf32, #tpu.memory_space<hbm>> -> memref<10000x128xf32, #tpu.memory_space<hbm>>
    tpu.wait_indirect_dma semaphore(%arg13 : memref<!tpu.dma_semaphore, #tpu.memory_space<semaphore_mem>>) src(%dma_wait3A_49 : memref<10000x128xf32, #tpu.memory_space<hbm>>) dst(%arg11 : memref<128x128xf32, #tpu.memory_space<vmem>>)
    %add3A_50 = arith.constant 80 : i32
    %add3A_51 = arith.addi %mul3A_2, %add3A_50 : i32
    %dma_wait3A_52 = arith.constant 0 : i32
    %dma_wait3A_53 = tpu.memref_slice %arg4[%add3A_51, %dma_wait3A_52] : memref<2562x128xi32, #tpu.memory_space<hbm>> -> memref<1x128xi32, #tpu.memory_space<hbm>>
    %dma_wait3A_54 = tpu.memref_squeeze %dma_wait3A_53 : memref<1x128xi32, #tpu.memory_space<hbm>> -> memref<128xi32, #tpu.memory_space<hbm>>
    %dma_wait3A_55 = arith.constant 0 : i32
    %dma_wait3A_56 = tpu.memref_slice %arg4[%add3A_51, %dma_wait3A_55] : memref<2562x128xi32, #tpu.memory_space<hbm>> -> memref<1x128xi32, #tpu.memory_space<hbm>>
    %dma_wait3A_57 = tpu.memref_squeeze %dma_wait3A_56 : memref<1x128xi32, #tpu.memory_space<hbm>> -> memref<128xi32, #tpu.memory_space<hbm>>
    tpu.wait_dma2 semaphore(%arg14 : memref<!tpu.dma_semaphore, #tpu.memory_space<semaphore_mem>>) src(%dma_wait3A_57 : memref<128xi32, #tpu.memory_space<hbm>>) dst(%arg8 : memref<128xi32, #tpu.memory_space<vmem>>)
    %add3A_58 = arith.constant 80 : i32
    %add3A_59 = arith.addi %mul3A_2, %add3A_58 : i32
    %add3A_60 = arith.constant 1 : i32
    %add3A_61 = arith.addi %add3A_59, %add3A_60 : i32
    %dma_wait3A_62 = arith.constant 0 : i32
    %dma_wait3A_63 = tpu.memref_slice %arg4[%add3A_61, %dma_wait3A_62] : memref<2562x128xi32, #tpu.memory_space<hbm>> -> memref<1x128xi32, #tpu.memory_space<hbm>>
    %dma_wait3A_64 = tpu.memref_squeeze %dma_wait3A_63 : memref<1x128xi32, #tpu.memory_space<hbm>> -> memref<128xi32, #tpu.memory_space<hbm>>
    %dma_wait3A_65 = arith.constant 0 : i32
    %dma_wait3A_66 = tpu.memref_slice %arg4[%add3A_61, %dma_wait3A_65] : memref<2562x128xi32, #tpu.memory_space<hbm>> -> memref<1x128xi32, #tpu.memory_space<hbm>>
    %dma_wait3A_67 = tpu.memref_squeeze %dma_wait3A_66 : memref<1x128xi32, #tpu.memory_space<hbm>> -> memref<128xi32, #tpu.memory_space<hbm>>
    tpu.wait_dma2 semaphore(%arg15 : memref<!tpu.dma_semaphore, #tpu.memory_space<semaphore_mem>>) src(%dma_wait3A_67 : memref<128xi32, #tpu.memory_space<hbm>>) dst(%arg9 : memref<128xi32, #tpu.memory_space<vmem>>)
    %barrier3A_68 = arith.constant 0 : index
    tpu.barrier barrier_id(%barrier3A_68)
    %lt3A = arith.constant 15 : i32
    %lt3A_69 = arith.cmpi slt, %arg1, %lt3A : i32
    %convert_element_type3A = arith.extui %lt3A_69 : i1 to i32
    %cond3A = arith.constant 0 : i32
    %cond3A_70 = arith.cmpi ne, %convert_element_type3A, %cond3A : i32
    scf.if %cond3A_70 {
      %mul3A_75 = arith.constant 640 : i32
      %mul3A_76 = arith.muli %arg1, %mul3A_75 : i32
      %mul3A_77 = arith.constant 640 : i32
      %mul3A_78 = arith.muli %arg1, %mul3A_77 : i32
      "tpu.region"() ({
        %run_scoped3A = tpu.sem_alloc : memref<!tpu.dma_semaphore, #tpu.memory_space<semaphore_mem>>
        %dma_start3A_79 = arith.constant 0 : i32
        %dma_start3A_80 = tpu.memref_slice %arg6[%arg0, %mul3A_78, %dma_start3A_79] : memref<2x10000x128xf32, #tpu.memory_space<hbm>> -> memref<1x640x128xf32, #tpu.memory_space<hbm>>
        %dma_start3A_81 = tpu.memref_squeeze %dma_start3A_80 : memref<1x640x128xf32, #tpu.memory_space<hbm>> -> memref<640x128xf32, #tpu.memory_space<hbm>>
        %dma_start3A_82 = arith.constant 0 : i32
        %dma_start3A_83 = tpu.memref_slice %arg16[%mul3A_76, %dma_start3A_82] : memref<10240x128xf32, #tpu.memory_space<vmem_shared>> -> memref<640x128xf32, #tpu.memory_space<vmem_shared>>
        tpu.enqueue_dma source(%dma_start3A_83 : memref<640x128xf32, #tpu.memory_space<vmem_shared>>) target(%dma_start3A_81 : memref<640x128xf32, #tpu.memory_space<hbm>>) target_semaphore(%run_scoped3A : memref<!tpu.dma_semaphore, #tpu.memory_space<semaphore_mem>>)
        %dma_wait3A_84 = arith.constant 0 : i32
        %dma_wait3A_85 = tpu.memref_slice %arg6[%arg0, %mul3A_78, %dma_wait3A_84] : memref<2x10000x128xf32, #tpu.memory_space<hbm>> -> memref<1x640x128xf32, #tpu.memory_space<hbm>>
        %dma_wait3A_86 = tpu.memref_squeeze %dma_wait3A_85 : memref<1x640x128xf32, #tpu.memory_space<hbm>> -> memref<640x128xf32, #tpu.memory_space<hbm>>
        %dma_wait3A_87 = arith.constant 0 : i32
        %dma_wait3A_88 = tpu.memref_slice %arg16[%mul3A_76, %dma_wait3A_87] : memref<10240x128xf32, #tpu.memory_space<vmem_shared>> -> memref<640x128xf32, #tpu.memory_space<vmem_shared>>
        tpu.wait_dma2 semaphore(%run_scoped3A : memref<!tpu.dma_semaphore, #tpu.memory_space<semaphore_mem>>) src(%dma_wait3A_88 : memref<640x128xf32, #tpu.memory_space<vmem_shared>>) dst(%dma_wait3A_86 : memref<640x128xf32, #tpu.memory_space<hbm>>)
        tpu.yield
      }) : () -> ()
    } else {
    }
    %eq3A = arith.constant 15 : i32
    %eq3A_71 = arith.cmpi eq, %arg1, %eq3A : i32
    %convert_element_type3A_72 = arith.extui %eq3A_71 : i1 to i32
    %cond3A_73 = arith.constant 0 : i32
    %cond3A_74 = arith.cmpi ne, %convert_element_type3A_72, %cond3A_73 : i32
    scf.if %cond3A_74 {
      "tpu.region"() ({
        %run_scoped3A = tpu.sem_alloc : memref<!tpu.dma_semaphore, #tpu.memory_space<semaphore_mem>>
        %dma_start3A_75 = arith.constant 9600 : i32
        %dma_start3A_76 = arith.constant 0 : i32
        %dma_start3A_77 = tpu.memref_slice %arg6[%arg0, %dma_start3A_75, %dma_start3A_76] : memref<2x10000x128xf32, #tpu.memory_space<hbm>> -> memref<1x400x128xf32, #tpu.memory_space<hbm>>
        %dma_start3A_78 = tpu.memref_squeeze %dma_start3A_77 : memref<1x400x128xf32, #tpu.memory_space<hbm>> -> memref<400x128xf32, #tpu.memory_space<hbm>>
        %dma_start3A_79 = arith.constant 9600 : i32
        %dma_start3A_80 = arith.constant 0 : i32
        %dma_start3A_81 = tpu.memref_slice %arg16[%dma_start3A_79, %dma_start3A_80] : memref<10240x128xf32, #tpu.memory_space<vmem_shared>> -> memref<400x128xf32, #tpu.memory_space<vmem_shared>>
        tpu.enqueue_dma source(%dma_start3A_81 : memref<400x128xf32, #tpu.memory_space<vmem_shared>>) target(%dma_start3A_78 : memref<400x128xf32, #tpu.memory_space<hbm>>) target_semaphore(%run_scoped3A : memref<!tpu.dma_semaphore, #tpu.memory_space<semaphore_mem>>)
        %dma_wait3A_82 = arith.constant 9600 : i32
        %dma_wait3A_83 = arith.constant 0 : i32
        %dma_wait3A_84 = tpu.memref_slice %arg6[%arg0, %dma_wait3A_82, %dma_wait3A_83] : memref<2x10000x128xf32, #tpu.memory_space<hbm>> -> memref<1x400x128xf32, #tpu.memory_space<hbm>>
        %dma_wait3A_85 = tpu.memref_squeeze %dma_wait3A_84 : memref<1x400x128xf32, #tpu.memory_space<hbm>> -> memref<400x128xf32, #tpu.memory_space<hbm>>
        %dma_wait3A_86 = arith.constant 9600 : i32
        %dma_wait3A_87 = arith.constant 0 : i32
        %dma_wait3A_88 = tpu.memref_slice %arg16[%dma_wait3A_86, %dma_wait3A_87] : memref<10240x128xf32, #tpu.memory_space<vmem_shared>> -> memref<400x128xf32, #tpu.memory_space<vmem_shared>>
        tpu.wait_dma2 semaphore(%run_scoped3A : memref<!tpu.dma_semaphore, #tpu.memory_space<semaphore_mem>>) src(%dma_wait3A_88 : memref<400x128xf32, #tpu.memory_space<vmem_shared>>) dst(%dma_wait3A_85 : memref<400x128xf32, #tpu.memory_space<hbm>>)
        tpu.yield
      }) : () -> ()
    } else {
    }
    return
  }
}

#map = affine_map<(d0, d1) -> (0, 0)>
#map1 = affine_map<(d0, d1) -> (0, 0, 0)>
module attributes {stable_mosaic.version = 14 : i64} {
  func.func @_seg_sum_body(%arg0: i32, %arg1: i32, %arg2: memref<10000x128xf32, #tpu.memory_space<hbm>>, %arg3: memref<32x82x128xi32, #tpu.memory_space<hbm>>, %arg4: memref<2562x128xi32, #tpu.memory_space<hbm>>, %arg5: memref<640x128xf32, #tpu.memory_space<hbm>>, %arg6: memref<2x10000x128xf32, #tpu.memory_space<hbm>>, %arg7: memref<82x128xi32, #tpu.memory_space<vmem>>, %arg8: memref<128xi32, #tpu.memory_space<vmem>>, %arg9: memref<128xi32, #tpu.memory_space<vmem>>, %arg10: memref<128x128xf32, #tpu.memory_space<vmem>>, %arg11: memref<128x128xf32, #tpu.memory_space<vmem>>, %arg12: memref<!tpu.dma_semaphore, #tpu.memory_space<semaphore_mem>>, %arg13: memref<!tpu.dma_semaphore, #tpu.memory_space<semaphore_mem>>, %arg14: memref<!tpu.dma_semaphore, #tpu.memory_space<semaphore_mem>>, %arg15: memref<!tpu.dma_semaphore, #tpu.memory_space<semaphore_mem>>, %arg16: memref<10240x128xf32, #tpu.memory_space<vmem_shared>>) attributes {dimension_semantics = [#tpu.dimension_semantics<core_parallel>, #tpu.dimension_semantics<subcore_parallel>], iteration_bounds = array<i64: 2, 16>, scalar_prefetch = 0 : i64, scratch_operands = 10 : i64, tpu.core_type = #tpu.core_type<sc_vector_subcore>, window_params = [{transform_indices = #map}, {transform_indices = #map1}, {transform_indices = #map}, {transform_indices = #map}, {transform_indices = #map1}]} {
    %mul3A = arith.constant 16 : i32
    %mul3A_0 = arith.muli %arg0, %mul3A : i32
    %add3A = arith.addi %mul3A_0, %arg1 : i32
    %mul3A_1 = arith.constant 80 : i32
    %mul3A_2 = arith.muli %add3A, %mul3A_1 : i32
    "tpu.region"() ({
      %run_scoped3A = tpu.sem_alloc : memref<!tpu.dma_semaphore, #tpu.memory_space<semaphore_mem>>
      %dma_start3A_75 = arith.constant 0 : i32
      %dma_start3A_76 = arith.constant 0 : i32
      %dma_start3A_77 = tpu.memref_slice %arg3[%add3A, %dma_start3A_75, %dma_start3A_76] : memref<32x82x128xi32, #tpu.memory_space<hbm>> -> memref<1x82x128xi32, #tpu.memory_space<hbm>>
      %dma_start3A_78 = tpu.memref_squeeze %dma_start3A_77 : memref<1x82x128xi32, #tpu.memory_space<hbm>> -> memref<82x128xi32, #tpu.memory_space<hbm>>
      %dma_start3A_79 = arith.constant 0 : i32
      %dma_start3A_80 = arith.constant 0 : i32
      %dma_start3A_81 = tpu.memref_slice %arg3[%add3A, %dma_start3A_79, %dma_start3A_80] : memref<32x82x128xi32, #tpu.memory_space<hbm>> -> memref<1x82x128xi32, #tpu.memory_space<hbm>>
      %dma_start3A_82 = tpu.memref_squeeze %dma_start3A_81 : memref<1x82x128xi32, #tpu.memory_space<hbm>> -> memref<82x128xi32, #tpu.memory_space<hbm>>
      tpu.enqueue_dma source(%dma_start3A_82 : memref<82x128xi32, #tpu.memory_space<hbm>>) target(%arg7 : memref<82x128xi32, #tpu.memory_space<vmem>>) target_semaphore(%run_scoped3A : memref<!tpu.dma_semaphore, #tpu.memory_space<semaphore_mem>>)
      %dma_wait3A_83 = arith.constant 0 : i32
      %dma_wait3A_84 = arith.constant 0 : i32
      %dma_wait3A_85 = tpu.memref_slice %arg3[%add3A, %dma_wait3A_83, %dma_wait3A_84] : memref<32x82x128xi32, #tpu.memory_space<hbm>> -> memref<1x82x128xi32, #tpu.memory_space<hbm>>
      %dma_wait3A_86 = tpu.memref_squeeze %dma_wait3A_85 : memref<1x82x128xi32, #tpu.memory_space<hbm>> -> memref<82x128xi32, #tpu.memory_space<hbm>>
      %dma_wait3A_87 = arith.constant 0 : i32
      %dma_wait3A_88 = arith.constant 0 : i32
      %dma_wait3A_89 = tpu.memref_slice %arg3[%add3A, %dma_wait3A_87, %dma_wait3A_88] : memref<32x82x128xi32, #tpu.memory_space<hbm>> -> memref<1x82x128xi32, #tpu.memory_space<hbm>>
      %dma_wait3A_90 = tpu.memref_squeeze %dma_wait3A_89 : memref<1x82x128xi32, #tpu.memory_space<hbm>> -> memref<82x128xi32, #tpu.memory_space<hbm>>
      tpu.wait_dma2 semaphore(%run_scoped3A : memref<!tpu.dma_semaphore, #tpu.memory_space<semaphore_mem>>) src(%dma_wait3A_90 : memref<82x128xi32, #tpu.memory_space<hbm>>) dst(%arg7 : memref<82x128xi32, #tpu.memory_space<vmem>>)
      tpu.yield
    }) : () -> ()
    %mul3A_3 = arith.constant 640 : i32
    %mul3A_4 = arith.muli %arg1, %mul3A_3 : i32
    "tpu.region"() ({
      %run_scoped3A = tpu.sem_alloc : memref<!tpu.dma_semaphore, #tpu.memory_space<semaphore_mem>>
      %dma_start3A_75 = arith.constant 0 : i32
      %dma_start3A_76 = tpu.memref_slice %arg16[%mul3A_4, %dma_start3A_75] : memref<10240x128xf32, #tpu.memory_space<vmem_shared>> -> memref<640x128xf32, #tpu.memory_space<vmem_shared>>
      tpu.enqueue_dma source(%arg5 : memref<640x128xf32, #tpu.memory_space<hbm>>) target(%dma_start3A_76 : memref<640x128xf32, #tpu.memory_space<vmem_shared>>) target_semaphore(%run_scoped3A : memref<!tpu.dma_semaphore, #tpu.memory_space<semaphore_mem>>)
      %dma_wait3A_77 = arith.constant 0 : i32
      %dma_wait3A_78 = tpu.memref_slice %arg16[%mul3A_4, %dma_wait3A_77] : memref<10240x128xf32, #tpu.memory_space<vmem_shared>> -> memref<640x128xf32, #tpu.memory_space<vmem_shared>>
      tpu.wait_dma2 semaphore(%run_scoped3A : memref<!tpu.dma_semaphore, #tpu.memory_space<semaphore_mem>>) src(%arg5 : memref<640x128xf32, #tpu.memory_space<hbm>>) dst(%dma_wait3A_78 : memref<640x128xf32, #tpu.memory_space<vmem_shared>>)
      tpu.yield
    }) : () -> ()
    %barrier3A = arith.constant 0 : index
    tpu.barrier barrier_id(%barrier3A)
    %dma_start3A = arith.constant 0 : i32
    %dma_start3A_5 = tpu.memref_slice %arg4[%mul3A_2, %dma_start3A] : memref<2562x128xi32, #tpu.memory_space<hbm>> -> memref<1x128xi32, #tpu.memory_space<hbm>>
    %dma_start3A_6 = tpu.memref_squeeze %dma_start3A_5 : memref<1x128xi32, #tpu.memory_space<hbm>> -> memref<128xi32, #tpu.memory_space<hbm>>
    %dma_start3A_7 = arith.constant 0 : i32
    %dma_start3A_8 = tpu.memref_slice %arg4[%mul3A_2, %dma_start3A_7] : memref<2562x128xi32, #tpu.memory_space<hbm>> -> memref<1x128xi32, #tpu.memory_space<hbm>>
    %dma_start3A_9 = tpu.memref_squeeze %dma_start3A_8 : memref<1x128xi32, #tpu.memory_space<hbm>> -> memref<128xi32, #tpu.memory_space<hbm>>
    tpu.enqueue_dma source(%dma_start3A_9 : memref<128xi32, #tpu.memory_space<hbm>>) target(%arg8 : memref<128xi32, #tpu.memory_space<vmem>>) target_semaphore(%arg14 : memref<!tpu.dma_semaphore, #tpu.memory_space<semaphore_mem>>)
    %add3A_10 = arith.constant 1 : i32
    %add3A_11 = arith.addi %mul3A_2, %add3A_10 : i32
    %dma_start3A_12 = arith.constant 0 : i32
    %dma_start3A_13 = tpu.memref_slice %arg4[%add3A_11, %dma_start3A_12] : memref<2562x128xi32, #tpu.memory_space<hbm>> -> memref<1x128xi32, #tpu.memory_space<hbm>>
    %dma_start3A_14 = tpu.memref_squeeze %dma_start3A_13 : memref<1x128xi32, #tpu.memory_space<hbm>> -> memref<128xi32, #tpu.memory_space<hbm>>
    %dma_start3A_15 = arith.constant 0 : i32
    %dma_start3A_16 = tpu.memref_slice %arg4[%add3A_11, %dma_start3A_15] : memref<2562x128xi32, #tpu.memory_space<hbm>> -> memref<1x128xi32, #tpu.memory_space<hbm>>
    %dma_start3A_17 = tpu.memref_squeeze %dma_start3A_16 : memref<1x128xi32, #tpu.memory_space<hbm>> -> memref<128xi32, #tpu.memory_space<hbm>>
    tpu.enqueue_dma source(%dma_start3A_17 : memref<128xi32, #tpu.memory_space<hbm>>) target(%arg9 : memref<128xi32, #tpu.memory_space<vmem>>) target_semaphore(%arg15 : memref<!tpu.dma_semaphore, #tpu.memory_space<semaphore_mem>>)
    %dma_start3A_18 = arith.constant 0 : i32
    %dma_start3A_19 = arith.constant 0 : i32
    %dma_start3A_20 = tpu.memref_slice %arg7[%dma_start3A_18, %dma_start3A_19] : memref<82x128xi32, #tpu.memory_space<vmem>> -> memref<1x128xi32, #tpu.memory_space<vmem>>
    %dma_start3A_21 = tpu.memref_squeeze %dma_start3A_20 : memref<1x128xi32, #tpu.memory_space<vmem>> -> memref<128xi32, #tpu.memory_space<vmem>>
    %dma_start3A_22 = arith.constant 0 : i32
    %dma_start3A_23 = arith.constant 0 : i32
    %dma_start3A_24 = tpu.memref_slice %arg2[%dma_start3A_22, %dma_start3A_23] : memref<10000x128xf32, #tpu.memory_space<hbm>> -> memref<10000x128xf32, #tpu.memory_space<hbm>>
    tpu.enqueue_indirect_dma source(%dma_start3A_24 : memref<10000x128xf32, #tpu.memory_space<hbm>>) target(%arg10 : memref<128x128xf32, #tpu.memory_space<vmem>>) offsets(%dma_start3A_21 : memref<128xi32, #tpu.memory_space<vmem>>) semaphore(%arg12 : memref<!tpu.dma_semaphore, #tpu.memory_space<semaphore_mem>>)
    %dma_start3A_25 = arith.constant 1 : i32
    %dma_start3A_26 = arith.constant 0 : i32
    %dma_start3A_27 = tpu.memref_slice %arg7[%dma_start3A_25, %dma_start3A_26] : memref<82x128xi32, #tpu.memory_space<vmem>> -> memref<1x128xi32, #tpu.memory_space<vmem>>
    %dma_start3A_28 = tpu.memref_squeeze %dma_start3A_27 : memref<1x128xi32, #tpu.memory_space<vmem>> -> memref<128xi32, #tpu.memory_space<vmem>>
    %dma_start3A_29 = arith.constant 0 : i32
    %dma_start3A_30 = arith.constant 0 : i32
    %dma_start3A_31 = tpu.memref_slice %arg2[%dma_start3A_29, %dma_start3A_30] : memref<10000x128xf32, #tpu.memory_space<hbm>> -> memref<10000x128xf32, #tpu.memory_space<hbm>>
    tpu.enqueue_indirect_dma source(%dma_start3A_31 : memref<10000x128xf32, #tpu.memory_space<hbm>>) target(%arg11 : memref<128x128xf32, #tpu.memory_space<vmem>>) offsets(%dma_start3A_28 : memref<128xi32, #tpu.memory_space<vmem>>) semaphore(%arg13 : memref<!tpu.dma_semaphore, #tpu.memory_space<semaphore_mem>>)
    %scan3A = arith.constant 0 : i32
    %scan3A_32 = arith.constant 0 : i32
    %scan3A_33 = arith.constant 40 : i32
    %scan3A_34 = arith.addi %scan3A_32, %scan3A_33 : i32
    %scan3A_35 = arith.constant 1 : i32
    scf.for %scan3A_75 = %scan3A_32 to %scan3A_34 step %scan3A_35  : i32 {
      %mul3A_76 = arith.constant 2 : i32
      %mul3A_77 = arith.muli %mul3A_76, %scan3A_75 : i32
      %dma_wait3A_78 = arith.constant 0 : i32
      %dma_wait3A_79 = tpu.memref_slice %arg7[%mul3A_77, %dma_wait3A_78] : memref<82x128xi32, #tpu.memory_space<vmem>> -> memref<1x128xi32, #tpu.memory_space<vmem>>
      %dma_wait3A_80 = tpu.memref_squeeze %dma_wait3A_79 : memref<1x128xi32, #tpu.memory_space<vmem>> -> memref<128xi32, #tpu.memory_space<vmem>>
      %dma_wait3A_81 = arith.constant 0 : i32
      %dma_wait3A_82 = arith.constant 0 : i32
      %dma_wait3A_83 = tpu.memref_slice %arg2[%dma_wait3A_81, %dma_wait3A_82] : memref<10000x128xf32, #tpu.memory_space<hbm>> -> memref<10000x128xf32, #tpu.memory_space<hbm>>
      tpu.wait_indirect_dma semaphore(%arg12 : memref<!tpu.dma_semaphore, #tpu.memory_space<semaphore_mem>>) src(%dma_wait3A_83 : memref<10000x128xf32, #tpu.memory_space<hbm>>) dst(%arg10 : memref<128x128xf32, #tpu.memory_space<vmem>>)
      %add3A_84 = arith.addi %mul3A_2, %mul3A_77 : i32
      %dma_wait3A_85 = arith.constant 0 : i32
      %dma_wait3A_86 = tpu.memref_slice %arg4[%add3A_84, %dma_wait3A_85] : memref<2562x128xi32, #tpu.memory_space<hbm>> -> memref<1x128xi32, #tpu.memory_space<hbm>>
      %dma_wait3A_87 = tpu.memref_squeeze %dma_wait3A_86 : memref<1x128xi32, #tpu.memory_space<hbm>> -> memref<128xi32, #tpu.memory_space<hbm>>
      %dma_wait3A_88 = arith.constant 0 : i32
      %dma_wait3A_89 = tpu.memref_slice %arg4[%add3A_84, %dma_wait3A_88] : memref<2562x128xi32, #tpu.memory_space<hbm>> -> memref<1x128xi32, #tpu.memory_space<hbm>>
      %dma_wait3A_90 = tpu.memref_squeeze %dma_wait3A_89 : memref<1x128xi32, #tpu.memory_space<hbm>> -> memref<128xi32, #tpu.memory_space<hbm>>
      tpu.wait_dma2 semaphore(%arg14 : memref<!tpu.dma_semaphore, #tpu.memory_space<semaphore_mem>>) src(%dma_wait3A_90 : memref<128xi32, #tpu.memory_space<hbm>>) dst(%arg8 : memref<128xi32, #tpu.memory_space<vmem>>)
      "tpu.region"() ({
        %run_scoped3A = tpu.sem_alloc : memref<!tpu.dma_semaphore, #tpu.memory_space<semaphore_mem>>
        %dma_start3A_142 = arith.constant 0 : i32
        %dma_start3A_143 = arith.constant 0 : i32
        %dma_start3A_144 = tpu.memref_slice %arg16[%dma_start3A_142, %dma_start3A_143] : memref<10240x128xf32, #tpu.memory_space<vmem_shared>> -> memref<10240x128xf32, #tpu.memory_space<vmem_shared>>
        tpu.enqueue_indirect_dma source(%arg10 : memref<128x128xf32, #tpu.memory_space<vmem>>) target(%dma_start3A_144 : memref<10240x128xf32, #tpu.memory_space<vmem_shared>>) offsets(%arg8 : memref<128xi32, #tpu.memory_space<vmem>>) semaphore(%run_scoped3A : memref<!tpu.dma_semaphore, #tpu.memory_space<semaphore_mem>>) {add = true}
        %dma_wait3A_145 = arith.constant 0 : i32
        %dma_wait3A_146 = arith.constant 0 : i32
        %dma_wait3A_147 = tpu.memref_slice %arg16[%dma_wait3A_145, %dma_wait3A_146] : memref<10240x128xf32, #tpu.memory_space<vmem_shared>> -> memref<10240x128xf32, #tpu.memory_space<vmem_shared>>
        tpu.wait_indirect_dma semaphore(%run_scoped3A : memref<!tpu.dma_semaphore, #tpu.memory_space<semaphore_mem>>) src(%arg10 : memref<128x128xf32, #tpu.memory_space<vmem>>) dst(%dma_wait3A_147 : memref<10240x128xf32, #tpu.memory_space<vmem_shared>>)
        tpu.yield
      }) : () -> ()
      %add3A_91 = arith.addi %mul3A_2, %mul3A_77 : i32
      %add3A_92 = arith.constant 2 : i32
      %add3A_93 = arith.addi %add3A_91, %add3A_92 : i32
      %dma_start3A_94 = arith.constant 0 : i32
      %dma_start3A_95 = tpu.memref_slice %arg4[%add3A_93, %dma_start3A_94] : memref<2562x128xi32, #tpu.memory_space<hbm>> -> memref<1x128xi32, #tpu.memory_space<hbm>>
      %dma_start3A_96 = tpu.memref_squeeze %dma_start3A_95 : memref<1x128xi32, #tpu.memory_space<hbm>> -> memref<128xi32, #tpu.memory_space<hbm>>
      %dma_start3A_97 = arith.constant 0 : i32
      %dma_start3A_98 = tpu.memref_slice %arg4[%add3A_93, %dma_start3A_97] : memref<2562x128xi32, #tpu.memory_space<hbm>> -> memref<1x128xi32, #tpu.memory_space<hbm>>
      %dma_start3A_99 = tpu.memref_squeeze %dma_start3A_98 : memref<1x128xi32, #tpu.memory_space<hbm>> -> memref<128xi32, #tpu.memory_space<hbm>>
      tpu.enqueue_dma source(%dma_start3A_99 : memref<128xi32, #tpu.memory_space<hbm>>) target(%arg8 : memref<128xi32, #tpu.memory_space<vmem>>) target_semaphore(%arg14 : memref<!tpu.dma_semaphore, #tpu.memory_space<semaphore_mem>>)
      %add3A_100 = arith.constant 2 : i32
      %add3A_101 = arith.addi %mul3A_77, %add3A_100 : i32
      %dma_start3A_102 = arith.constant 0 : i32
      %dma_start3A_103 = tpu.memref_slice %arg7[%add3A_101, %dma_start3A_102] : memref<82x128xi32, #tpu.memory_space<vmem>> -> memref<1x128xi32, #tpu.memory_space<vmem>>
      %dma_start3A_104 = tpu.memref_squeeze %dma_start3A_103 : memref<1x128xi32, #tpu.memory_space<vmem>> -> memref<128xi32, #tpu.memory_space<vmem>>
      %dma_start3A_105 = arith.constant 0 : i32
      %dma_start3A_106 = arith.constant 0 : i32
      %dma_start3A_107 = tpu.memref_slice %arg2[%dma_start3A_105, %dma_start3A_106] : memref<10000x128xf32, #tpu.memory_space<hbm>> -> memref<10000x128xf32, #tpu.memory_space<hbm>>
      tpu.enqueue_indirect_dma source(%dma_start3A_107 : memref<10000x128xf32, #tpu.memory_space<hbm>>) target(%arg10 : memref<128x128xf32, #tpu.memory_space<vmem>>) offsets(%dma_start3A_104 : memref<128xi32, #tpu.memory_space<vmem>>) semaphore(%arg12 : memref<!tpu.dma_semaphore, #tpu.memory_space<semaphore_mem>>)
      %add3A_108 = arith.constant 1 : i32
      %add3A_109 = arith.addi %mul3A_77, %add3A_108 : i32
      %dma_wait3A_110 = arith.constant 0 : i32
      %dma_wait3A_111 = tpu.memref_slice %arg7[%add3A_109, %dma_wait3A_110] : memref<82x128xi32, #tpu.memory_space<vmem>> -> memref<1x128xi32, #tpu.memory_space<vmem>>
      %dma_wait3A_112 = tpu.memref_squeeze %dma_wait3A_111 : memref<1x128xi32, #tpu.memory_space<vmem>> -> memref<128xi32, #tpu.memory_space<vmem>>
      %dma_wait3A_113 = arith.constant 0 : i32
      %dma_wait3A_114 = arith.constant 0 : i32
      %dma_wait3A_115 = tpu.memref_slice %arg2[%dma_wait3A_113, %dma_wait3A_114] : memref<10000x128xf32, #tpu.memory_space<hbm>> -> memref<10000x128xf32, #tpu.memory_space<hbm>>
      tpu.wait_indirect_dma semaphore(%arg13 : memref<!tpu.dma_semaphore, #tpu.memory_space<semaphore_mem>>) src(%dma_wait3A_115 : memref<10000x128xf32, #tpu.memory_space<hbm>>) dst(%arg11 : memref<128x128xf32, #tpu.memory_space<vmem>>)
      %add3A_116 = arith.addi %mul3A_2, %mul3A_77 : i32
      %add3A_117 = arith.constant 1 : i32
      %add3A_118 = arith.addi %add3A_116, %add3A_117 : i32
      %dma_wait3A_119 = arith.constant 0 : i32
      %dma_wait3A_120 = tpu.memref_slice %arg4[%add3A_118, %dma_wait3A_119] : memref<2562x128xi32, #tpu.memory_space<hbm>> -> memref<1x128xi32, #tpu.memory_space<hbm>>
      %dma_wait3A_121 = tpu.memref_squeeze %dma_wait3A_120 : memref<1x128xi32, #tpu.memory_space<hbm>> -> memref<128xi32, #tpu.memory_space<hbm>>
      %dma_wait3A_122 = arith.constant 0 : i32
      %dma_wait3A_123 = tpu.memref_slice %arg4[%add3A_118, %dma_wait3A_122] : memref<2562x128xi32, #tpu.memory_space<hbm>> -> memref<1x128xi32, #tpu.memory_space<hbm>>
      %dma_wait3A_124 = tpu.memref_squeeze %dma_wait3A_123 : memref<1x128xi32, #tpu.memory_space<hbm>> -> memref<128xi32, #tpu.memory_space<hbm>>
      tpu.wait_dma2 semaphore(%arg15 : memref<!tpu.dma_semaphore, #tpu.memory_space<semaphore_mem>>) src(%dma_wait3A_124 : memref<128xi32, #tpu.memory_space<hbm>>) dst(%arg9 : memref<128xi32, #tpu.memory_space<vmem>>)
      "tpu.region"() ({
        %run_scoped3A = tpu.sem_alloc : memref<!tpu.dma_semaphore, #tpu.memory_space<semaphore_mem>>
        %dma_start3A_142 = arith.constant 0 : i32
        %dma_start3A_143 = arith.constant 0 : i32
        %dma_start3A_144 = tpu.memref_slice %arg16[%dma_start3A_142, %dma_start3A_143] : memref<10240x128xf32, #tpu.memory_space<vmem_shared>> -> memref<10240x128xf32, #tpu.memory_space<vmem_shared>>
        tpu.enqueue_indirect_dma source(%arg11 : memref<128x128xf32, #tpu.memory_space<vmem>>) target(%dma_start3A_144 : memref<10240x128xf32, #tpu.memory_space<vmem_shared>>) offsets(%arg9 : memref<128xi32, #tpu.memory_space<vmem>>) semaphore(%run_scoped3A : memref<!tpu.dma_semaphore, #tpu.memory_space<semaphore_mem>>) {add = true}
        %dma_wait3A_145 = arith.constant 0 : i32
        %dma_wait3A_146 = arith.constant 0 : i32
        %dma_wait3A_147 = tpu.memref_slice %arg16[%dma_wait3A_145, %dma_wait3A_146] : memref<10240x128xf32, #tpu.memory_space<vmem_shared>> -> memref<10240x128xf32, #tpu.memory_space<vmem_shared>>
        tpu.wait_indirect_dma semaphore(%run_scoped3A : memref<!tpu.dma_semaphore, #tpu.memory_space<semaphore_mem>>) src(%arg11 : memref<128x128xf32, #tpu.memory_space<vmem>>) dst(%dma_wait3A_147 : memref<10240x128xf32, #tpu.memory_space<vmem_shared>>)
        tpu.yield
      }) : () -> ()
      %add3A_125 = arith.addi %mul3A_2, %mul3A_77 : i32
      %add3A_126 = arith.constant 3 : i32
      %add3A_127 = arith.addi %add3A_125, %add3A_126 : i32
      %dma_start3A_128 = arith.constant 0 : i32
      %dma_start3A_129 = tpu.memref_slice %arg4[%add3A_127, %dma_start3A_128] : memref<2562x128xi32, #tpu.memory_space<hbm>> -> memref<1x128xi32, #tpu.memory_space<hbm>>
      %dma_start3A_130 = tpu.memref_squeeze %dma_start3A_129 : memref<1x128xi32, #tpu.memory_space<hbm>> -> memref<128xi32, #tpu.memory_space<hbm>>
      %dma_start3A_131 = arith.constant 0 : i32
      %dma_start3A_132 = tpu.memref_slice %arg4[%add3A_127, %dma_start3A_131] : memref<2562x128xi32, #tpu.memory_space<hbm>> -> memref<1x128xi32, #tpu.memory_space<hbm>>
      %dma_start3A_133 = tpu.memref_squeeze %dma_start3A_132 : memref<1x128xi32, #tpu.memory_space<hbm>> -> memref<128xi32, #tpu.memory_space<hbm>>
      tpu.enqueue_dma source(%dma_start3A_133 : memref<128xi32, #tpu.memory_space<hbm>>) target(%arg9 : memref<128xi32, #tpu.memory_space<vmem>>) target_semaphore(%arg15 : memref<!tpu.dma_semaphore, #tpu.memory_space<semaphore_mem>>)
      %add3A_134 = arith.constant 3 : i32
      %add3A_135 = arith.addi %mul3A_77, %add3A_134 : i32
      %dma_start3A_136 = arith.constant 0 : i32
      %dma_start3A_137 = tpu.memref_slice %arg7[%add3A_135, %dma_start3A_136] : memref<82x128xi32, #tpu.memory_space<vmem>> -> memref<1x128xi32, #tpu.memory_space<vmem>>
      %dma_start3A_138 = tpu.memref_squeeze %dma_start3A_137 : memref<1x128xi32, #tpu.memory_space<vmem>> -> memref<128xi32, #tpu.memory_space<vmem>>
      %dma_start3A_139 = arith.constant 0 : i32
      %dma_start3A_140 = arith.constant 0 : i32
      %dma_start3A_141 = tpu.memref_slice %arg2[%dma_start3A_139, %dma_start3A_140] : memref<10000x128xf32, #tpu.memory_space<hbm>> -> memref<10000x128xf32, #tpu.memory_space<hbm>>
      tpu.enqueue_indirect_dma source(%dma_start3A_141 : memref<10000x128xf32, #tpu.memory_space<hbm>>) target(%arg11 : memref<128x128xf32, #tpu.memory_space<vmem>>) offsets(%dma_start3A_138 : memref<128xi32, #tpu.memory_space<vmem>>) semaphore(%arg13 : memref<!tpu.dma_semaphore, #tpu.memory_space<semaphore_mem>>)
    }
    %scan3A_36 = arith.constant 40 : i32
    %dma_wait3A = arith.constant 80 : i32
    %dma_wait3A_37 = arith.constant 0 : i32
    %dma_wait3A_38 = tpu.memref_slice %arg7[%dma_wait3A, %dma_wait3A_37] : memref<82x128xi32, #tpu.memory_space<vmem>> -> memref<1x128xi32, #tpu.memory_space<vmem>>
    %dma_wait3A_39 = tpu.memref_squeeze %dma_wait3A_38 : memref<1x128xi32, #tpu.memory_space<vmem>> -> memref<128xi32, #tpu.memory_space<vmem>>
    %dma_wait3A_40 = arith.constant 0 : i32
    %dma_wait3A_41 = arith.constant 0 : i32
    %dma_wait3A_42 = tpu.memref_slice %arg2[%dma_wait3A_40, %dma_wait3A_41] : memref<10000x128xf32, #tpu.memory_space<hbm>> -> memref<10000x128xf32, #tpu.memory_space<hbm>>
    tpu.wait_indirect_dma semaphore(%arg12 : memref<!tpu.dma_semaphore, #tpu.memory_space<semaphore_mem>>) src(%dma_wait3A_42 : memref<10000x128xf32, #tpu.memory_space<hbm>>) dst(%arg10 : memref<128x128xf32, #tpu.memory_space<vmem>>)
    %dma_wait3A_43 = arith.constant 81 : i32
    %dma_wait3A_44 = arith.constant 0 : i32
    %dma_wait3A_45 = tpu.memref_slice %arg7[%dma_wait3A_43, %dma_wait3A_44] : memref<82x128xi32, #tpu.memory_space<vmem>> -> memref<1x128xi32, #tpu.memory_space<vmem>>
    %dma_wait3A_46 = tpu.memref_squeeze %dma_wait3A_45 : memref<1x128xi32, #tpu.memory_space<vmem>> -> memref<128xi32, #tpu.memory_space<vmem>>
    %dma_wait3A_47 = arith.constant 0 : i32
    %dma_wait3A_48 = arith.constant 0 : i32
    %dma_wait3A_49 = tpu.memref_slice %arg2[%dma_wait3A_47, %dma_wait3A_48] : memref<10000x128xf32, #tpu.memory_space<hbm>> -> memref<10000x128xf32, #tpu.memory_space<hbm>>
    tpu.wait_indirect_dma semaphore(%arg13 : memref<!tpu.dma_semaphore, #tpu.memory_space<semaphore_mem>>) src(%dma_wait3A_49 : memref<10000x128xf32, #tpu.memory_space<hbm>>) dst(%arg11 : memref<128x128xf32, #tpu.memory_space<vmem>>)
    %add3A_50 = arith.constant 80 : i32
    %add3A_51 = arith.addi %mul3A_2, %add3A_50 : i32
    %dma_wait3A_52 = arith.constant 0 : i32
    %dma_wait3A_53 = tpu.memref_slice %arg4[%add3A_51, %dma_wait3A_52] : memref<2562x128xi32, #tpu.memory_space<hbm>> -> memref<1x128xi32, #tpu.memory_space<hbm>>
    %dma_wait3A_54 = tpu.memref_squeeze %dma_wait3A_53 : memref<1x128xi32, #tpu.memory_space<hbm>> -> memref<128xi32, #tpu.memory_space<hbm>>
    %dma_wait3A_55 = arith.constant 0 : i32
    %dma_wait3A_56 = tpu.memref_slice %arg4[%add3A_51, %dma_wait3A_55] : memref<2562x128xi32, #tpu.memory_space<hbm>> -> memref<1x128xi32, #tpu.memory_space<hbm>>
    %dma_wait3A_57 = tpu.memref_squeeze %dma_wait3A_56 : memref<1x128xi32, #tpu.memory_space<hbm>> -> memref<128xi32, #tpu.memory_space<hbm>>
    tpu.wait_dma2 semaphore(%arg14 : memref<!tpu.dma_semaphore, #tpu.memory_space<semaphore_mem>>) src(%dma_wait3A_57 : memref<128xi32, #tpu.memory_space<hbm>>) dst(%arg8 : memref<128xi32, #tpu.memory_space<vmem>>)
    %add3A_58 = arith.constant 80 : i32
    %add3A_59 = arith.addi %mul3A_2, %add3A_58 : i32
    %add3A_60 = arith.constant 1 : i32
    %add3A_61 = arith.addi %add3A_59, %add3A_60 : i32
    %dma_wait3A_62 = arith.constant 0 : i32
    %dma_wait3A_63 = tpu.memref_slice %arg4[%add3A_61, %dma_wait3A_62] : memref<2562x128xi32, #tpu.memory_space<hbm>> -> memref<1x128xi32, #tpu.memory_space<hbm>>
    %dma_wait3A_64 = tpu.memref_squeeze %dma_wait3A_63 : memref<1x128xi32, #tpu.memory_space<hbm>> -> memref<128xi32, #tpu.memory_space<hbm>>
    %dma_wait3A_65 = arith.constant 0 : i32
    %dma_wait3A_66 = tpu.memref_slice %arg4[%add3A_61, %dma_wait3A_65] : memref<2562x128xi32, #tpu.memory_space<hbm>> -> memref<1x128xi32, #tpu.memory_space<hbm>>
    %dma_wait3A_67 = tpu.memref_squeeze %dma_wait3A_66 : memref<1x128xi32, #tpu.memory_space<hbm>> -> memref<128xi32, #tpu.memory_space<hbm>>
    tpu.wait_dma2 semaphore(%arg15 : memref<!tpu.dma_semaphore, #tpu.memory_space<semaphore_mem>>) src(%dma_wait3A_67 : memref<128xi32, #tpu.memory_space<hbm>>) dst(%arg9 : memref<128xi32, #tpu.memory_space<vmem>>)
    %barrier3A_68 = arith.constant 0 : index
    tpu.barrier barrier_id(%barrier3A_68)
    %lt3A = arith.constant 15 : i32
    %lt3A_69 = arith.cmpi slt, %arg1, %lt3A : i32
    %convert_element_type3A = arith.extui %lt3A_69 : i1 to i32
    %cond3A = arith.constant 0 : i32
    %cond3A_70 = arith.cmpi ne, %convert_element_type3A, %cond3A : i32
    scf.if %cond3A_70 {
      %mul3A_75 = arith.constant 640 : i32
      %mul3A_76 = arith.muli %arg1, %mul3A_75 : i32
      %mul3A_77 = arith.constant 640 : i32
      %mul3A_78 = arith.muli %arg1, %mul3A_77 : i32
      "tpu.region"() ({
        %run_scoped3A = tpu.sem_alloc : memref<!tpu.dma_semaphore, #tpu.memory_space<semaphore_mem>>
        %dma_start3A_79 = arith.constant 0 : i32
        %dma_start3A_80 = tpu.memref_slice %arg6[%arg0, %mul3A_78, %dma_start3A_79] : memref<2x10000x128xf32, #tpu.memory_space<hbm>> -> memref<1x640x128xf32, #tpu.memory_space<hbm>>
        %dma_start3A_81 = tpu.memref_squeeze %dma_start3A_80 : memref<1x640x128xf32, #tpu.memory_space<hbm>> -> memref<640x128xf32, #tpu.memory_space<hbm>>
        %dma_start3A_82 = arith.constant 0 : i32
        %dma_start3A_83 = tpu.memref_slice %arg16[%mul3A_76, %dma_start3A_82] : memref<10240x128xf32, #tpu.memory_space<vmem_shared>> -> memref<640x128xf32, #tpu.memory_space<vmem_shared>>
        tpu.enqueue_dma source(%dma_start3A_83 : memref<640x128xf32, #tpu.memory_space<vmem_shared>>) target(%dma_start3A_81 : memref<640x128xf32, #tpu.memory_space<hbm>>) target_semaphore(%run_scoped3A : memref<!tpu.dma_semaphore, #tpu.memory_space<semaphore_mem>>)
        %dma_wait3A_84 = arith.constant 0 : i32
        %dma_wait3A_85 = tpu.memref_slice %arg6[%arg0, %mul3A_78, %dma_wait3A_84] : memref<2x10000x128xf32, #tpu.memory_space<hbm>> -> memref<1x640x128xf32, #tpu.memory_space<hbm>>
        %dma_wait3A_86 = tpu.memref_squeeze %dma_wait3A_85 : memref<1x640x128xf32, #tpu.memory_space<hbm>> -> memref<640x128xf32, #tpu.memory_space<hbm>>
        %dma_wait3A_87 = arith.constant 0 : i32
        %dma_wait3A_88 = tpu.memref_slice %arg16[%mul3A_76, %dma_wait3A_87] : memref<10240x128xf32, #tpu.memory_space<vmem_shared>> -> memref<640x128xf32, #tpu.memory_space<vmem_shared>>
        tpu.wait_dma2 semaphore(%run_scoped3A : memref<!tpu.dma_semaphore, #tpu.memory_space<semaphore_mem>>) src(%dma_wait3A_88 : memref<640x128xf32, #tpu.memory_space<vmem_shared>>) dst(%dma_wait3A_86 : memref<640x128xf32, #tpu.memory_space<hbm>>)
        tpu.yield
      }) : () -> ()
    } else {
    }
    %eq3A = arith.constant 15 : i32
    %eq3A_71 = arith.cmpi eq, %arg1, %eq3A : i32
    %convert_element_type3A_72 = arith.extui %eq3A_71 : i1 to i32
    %cond3A_73 = arith.constant 0 : i32
    %cond3A_74 = arith.cmpi ne, %convert_element_type3A_72, %cond3A_73 : i32
    scf.if %cond3A_74 {
      "tpu.region"() ({
        %run_scoped3A = tpu.sem_alloc : memref<!tpu.dma_semaphore, #tpu.memory_space<semaphore_mem>>
        %dma_start3A_75 = arith.constant 9600 : i32
        %dma_start3A_76 = arith.constant 0 : i32
        %dma_start3A_77 = tpu.memref_slice %arg6[%arg0, %dma_start3A_75, %dma_start3A_76] : memref<2x10000x128xf32, #tpu.memory_space<hbm>> -> memref<1x400x128xf32, #tpu.memory_space<hbm>>
        %dma_start3A_78 = tpu.memref_squeeze %dma_start3A_77 : memref<1x400x128xf32, #tpu.memory_space<hbm>> -> memref<400x128xf32, #tpu.memory_space<hbm>>
        %dma_start3A_79 = arith.constant 9600 : i32
        %dma_start3A_80 = arith.constant 0 : i32
        %dma_start3A_81 = tpu.memref_slice %arg16[%dma_start3A_79, %dma_start3A_80] : memref<10240x128xf32, #tpu.memory_space<vmem_shared>> -> memref<400x128xf32, #tpu.memory_space<vmem_shared>>
        tpu.enqueue_dma source(%dma_start3A_81 : memref<400x128xf32, #tpu.memory_space<vmem_shared>>) target(%dma_start3A_78 : memref<400x128xf32, #tpu.memory_space<hbm>>) target_semaphore(%run_scoped3A : memref<!tpu.dma_semaphore, #tpu.memory_space<semaphore_mem>>)
        %dma_wait3A_82 = arith.constant 9600 : i32
        %dma_wait3A_83 = arith.constant 0 : i32
        %dma_wait3A_84 = tpu.memref_slice %arg6[%arg0, %dma_wait3A_82, %dma_wait3A_83] : memref<2x10000x128xf32, #tpu.memory_space<hbm>> -> memref<1x400x128xf32, #tpu.memory_space<hbm>>
        %dma_wait3A_85 = tpu.memref_squeeze %dma_wait3A_84 : memref<1x400x128xf32, #tpu.memory_space<hbm>> -> memref<400x128xf32, #tpu.memory_space<hbm>>
        %dma_wait3A_86 = arith.constant 9600 : i32
        %dma_wait3A_87 = arith.constant 0 : i32
        %dma_wait3A_88 = tpu.memref_slice %arg16[%dma_wait3A_86, %dma_wait3A_87] : memref<10240x128xf32, #tpu.memory_space<vmem_shared>> -> memref<400x128xf32, #tpu.memory_space<vmem_shared>>
        tpu.wait_dma2 semaphore(%run_scoped3A : memref<!tpu.dma_semaphore, #tpu.memory_space<semaphore_mem>>) src(%dma_wait3A_88 : memref<400x128xf32, #tpu.memory_space<vmem_shared>>) dst(%dma_wait3A_85 : memref<400x128xf32, #tpu.memory_space<hbm>>)
        tpu.yield
      }) : () -> ()
    } else {
    }
    return
  }
}

module attributes {stable_mosaic.version = 14 : i64} {
  func.func @_precompute_body(%arg0: i32, %arg1: memref<2000x128xf32, #tpu.memory_space<vmem>>, %arg2: memref<128x128xf32, #tpu.memory_space<vmem>>, %arg3: memref<20x128xf32, #tpu.memory_space<vmem>>, %arg4: memref<2000x128xf32, #tpu.memory_space<vmem>>, %arg5: memref<2000x128xf32, #tpu.memory_space<vmem>>) attributes {dimension_semantics = [#tpu.dimension_semantics<arbitrary>], iteration_bounds = array<i64: 5>, scalar_prefetch = 0 : i64, scratch_operands = 0 : i64, tpu.core_type = #tpu.core_type<tc>, window_params = [{transform_indices = @transform_0, window_bounds = array<i64: 2000, 128>}, {pipeline_mode = #tpu.pipeline_mode<synchronous>, transform_indices = @transform_1, window_bounds = array<i64: 128, 128>}, {pipeline_mode = #tpu.pipeline_mode<synchronous>, transform_indices = @transform_2, window_bounds = array<i64: 20, 128>}, {transform_indices = @transform_3, window_bounds = array<i64: 2000, 128>}, {transform_indices = @transform_4, window_bounds = array<i64: 2000, 128>}]} {
    %get3A = arith.constant 0 : index
    %get3A_0 = arith.constant 0 : index
    %get3A_1 = vector.load %arg3[%get3A, %get3A_0] : memref<20x128xf32, #tpu.memory_space<vmem>>, vector<20x128xf32>
    %reduce_sum3A = arith.constant dense<0.000000e+00> : vector<128xf32>
    %reduce_sum3A_2 = vector.multi_reduction <add>, %get3A_1, %reduce_sum3A [0] : vector<20x128xf32> to vector<128xf32>
    %broadcast_in_dim3A = vector.shape_cast %reduce_sum3A_2 : vector<128xf32> to vector<1x128xf32>
    %div3A = arith.constant 2.000000e+01 : f32
    %div3A_3 = vector.broadcast %div3A : f32 to vector<1x128xf32>
    %div3A_4 = arith.divf %broadcast_in_dim3A, %div3A_3 : vector<1x128xf32>
    %get3A_5 = arith.constant 0 : index
    %get3A_6 = arith.constant 0 : index
    %get3A_7 = vector.load %arg1[%get3A_5, %get3A_6] : memref<2000x128xf32, #tpu.memory_space<vmem>>, vector<2000x128xf32>
    %get3A_8 = arith.constant 0 : index
    %get3A_9 = arith.constant 0 : index
    %get3A_10 = vector.load %arg2[%get3A_8, %get3A_9] : memref<128x128xf32, #tpu.memory_space<vmem>>, vector<128x128xf32>
    %dot_general3A = arith.constant dense<0.000000e+00> : vector<2000x128xf32>
    %dot_general3A_11 = tpu.matmul %get3A_7, %get3A_10, %dot_general3A {dimension_numbers = #tpu.dot_dimension_numbers<[1], [1], [0], [0], [0, 0, 1, 0], [], []>, transpose_lhs_hint = false} : vector<2000x128xf32>, vector<128x128xf32>, vector<2000x128xf32> -> vector<2000x128xf32>
    %add3A = vector.broadcast %div3A_4 : vector<1x128xf32> to vector<2000x128xf32>
    %add3A_12 = arith.addf %dot_general3A_11, %add3A : vector<2000x128xf32>
    %swap3A = arith.constant 0 : index
    %swap3A_13 = arith.constant 0 : index
    %swap3A_14 = vector.load %arg4[%swap3A, %swap3A_13] : memref<2000x128xf32, #tpu.memory_space<vmem>>, vector<2000x128xf32>
    tpu.vector_store %arg4[%swap3A, %swap3A_13], %add3A_12 {strides = array<i32>} : memref<2000x128xf32, #tpu.memory_space<vmem>>, vector<2000x128xf32>,
    %tanh3A = math.tanh %add3A_12 : vector<2000x128xf32>
    %swap3A_15 = arith.constant 0 : index
    %swap3A_16 = arith.constant 0 : index
    %swap3A_17 = vector.load %arg5[%swap3A_15, %swap3A_16] : memref<2000x128xf32, #tpu.memory_space<vmem>>, vector<2000x128xf32>
    tpu.vector_store %arg5[%swap3A_15, %swap3A_16], %tanh3A {strides = array<i32>} : memref<2000x128xf32, #tpu.memory_space<vmem>>, vector<2000x128xf32>,
    return
  }
  func.func @transform_0(%arg0: i32) -> (i32, i32) {
    %c0_i32 = arith.constant 0 : i32
    %c0_i32_0 = arith.constant 0 : i32
    return %arg0, %c0_i32 : i32, i32
  }
  func.func @transform_1(%arg0: i32) -> (i32, i32) {
    %c0_i32 = arith.constant 0 : i32
    %c0_i32_0 = arith.constant 0 : i32
    %c0_i32_1 = arith.constant 0 : i32
    return %c0_i32, %c0_i32_0 : i32, i32
  }
  func.func @transform_2(%arg0: i32) -> (i32, i32) {
    %c0_i32 = arith.constant 0 : i32
    %c0_i32_0 = arith.constant 0 : i32
    %c0_i32_1 = arith.constant 0 : i32
    return %c0_i32, %c0_i32_0 : i32, i32
  }
  func.func @transform_3(%arg0: i32) -> (i32, i32) {
    %c0_i32 = arith.constant 0 : i32
    %c0_i32_0 = arith.constant 0 : i32
    return %arg0, %c0_i32 : i32, i32
  }
  func.func @transform_4(%arg0: i32) -> (i32, i32) {
    %c0_i32 = arith.constant 0 : i32
    %c0_i32_0 = arith.constant 0 : i32
    return %arg0, %c0_i32 : i32, i32
  }
}

module attributes {stable_mosaic.version = 14 : i64} {
  func.func @_update_body(%arg0: i32, %arg1: memref<2000x128xf32, #tpu.memory_space<vmem>>, %arg2: memref<2x2000x128xf32, #tpu.memory_space<vmem>>, %arg3: memref<2000x128xf32, #tpu.memory_space<vmem>>) attributes {dimension_semantics = [#tpu.dimension_semantics<arbitrary>], iteration_bounds = array<i64: 5>, scalar_prefetch = 0 : i64, scratch_operands = 0 : i64, tpu.core_type = #tpu.core_type<tc>, window_params = [{transform_indices = @transform_0, window_bounds = array<i64: 2000, 128>}, {transform_indices = @transform_1, window_bounds = array<i64: 2, 2000, 128>}, {transform_indices = @transform_2, window_bounds = array<i64: 2000, 128>}]} {
    %get3A = arith.constant 0 : index
    %get3A_0 = arith.constant 0 : index
    %get3A_1 = arith.constant 0 : index
    %get3A_2 = vector.load %arg2[%get3A, %get3A_0, %get3A_1] : memref<2x2000x128xf32, #tpu.memory_space<vmem>>, vector<1x2000x128xf32>
    %get3A_3 = vector.shape_cast %get3A_2 : vector<1x2000x128xf32> to vector<2000x128xf32>
    %get3A_4 = arith.constant 1 : index
    %get3A_5 = arith.constant 0 : index
    %get3A_6 = arith.constant 0 : index
    %get3A_7 = vector.load %arg2[%get3A_4, %get3A_5, %get3A_6] : memref<2x2000x128xf32, #tpu.memory_space<vmem>>, vector<1x2000x128xf32>
    %get3A_8 = vector.shape_cast %get3A_7 : vector<1x2000x128xf32> to vector<2000x128xf32>
    %add3A = arith.addf %get3A_3, %get3A_8 : vector<2000x128xf32>
    %mul3A = arith.constant 3.125000e-02 : f32
    %mul3A_9 = vector.broadcast %mul3A : f32 to vector<2000x128xf32>
    %mul3A_10 = arith.mulf %add3A, %mul3A_9 : vector<2000x128xf32>
    %get3A_11 = arith.constant 0 : index
    %get3A_12 = arith.constant 0 : index
    %get3A_13 = vector.load %arg1[%get3A_11, %get3A_12] : memref<2000x128xf32, #tpu.memory_space<vmem>>, vector<2000x128xf32>
    %add3A_14 = arith.addf %get3A_13, %mul3A_10 : vector<2000x128xf32>
    %tanh3A = math.tanh %add3A_14 : vector<2000x128xf32>
    %swap3A = arith.constant 0 : index
    %swap3A_15 = arith.constant 0 : index
    %swap3A_16 = vector.load %arg3[%swap3A, %swap3A_15] : memref<2000x128xf32, #tpu.memory_space<vmem>>, vector<2000x128xf32>
    tpu.vector_store %arg3[%swap3A, %swap3A_15], %tanh3A {strides = array<i32>} : memref<2000x128xf32, #tpu.memory_space<vmem>>, vector<2000x128xf32>,
    return
  }
  func.func @transform_0(%arg0: i32) -> (i32, i32) {
    %c0_i32 = arith.constant 0 : i32
    %c0_i32_0 = arith.constant 0 : i32
    return %arg0, %c0_i32 : i32, i32
  }
  func.func @transform_1(%arg0: i32) -> (i32, i32, i32) {
    %c0_i32 = arith.constant 0 : i32
    %c0_i32_0 = arith.constant 0 : i32
    %c0_i32_1 = arith.constant 0 : i32
    return %c0_i32, %arg0, %c0_i32_0 : i32, i32, i32
  }
  func.func @transform_2(%arg0: i32) -> (i32, i32) {
    %c0_i32 = arith.constant 0 : i32
    %c0_i32_0 = arith.constant 0 : i32
    return %arg0, %c0_i32 : i32, i32
  }
}

module attributes {stable_mosaic.version = 14 : i64} {
  func.func @_final_body(%arg0: i32, %arg1: memref<2000x128xf32, #tpu.memory_space<vmem>>, %arg2: memref<2x2000x128xf32, #tpu.memory_space<vmem>>, %arg3: memref<128x128xf32, #tpu.memory_space<vmem>>, %arg4: memref<128x128xf32, #tpu.memory_space<vmem>>, %arg5: memref<2000x128xf32, #tpu.memory_space<vmem>>) attributes {dimension_semantics = [#tpu.dimension_semantics<arbitrary>], iteration_bounds = array<i64: 5>, scalar_prefetch = 0 : i64, scratch_operands = 0 : i64, tpu.core_type = #tpu.core_type<tc>, window_params = [{transform_indices = @transform_0, window_bounds = array<i64: 2000, 128>}, {transform_indices = @transform_1, window_bounds = array<i64: 2, 2000, 128>}, {pipeline_mode = #tpu.pipeline_mode<synchronous>, transform_indices = @transform_2, window_bounds = array<i64: 128, 128>}, {pipeline_mode = #tpu.pipeline_mode<synchronous>, transform_indices = @transform_3, window_bounds = array<i64: 128, 128>}, {transform_indices = @transform_4, window_bounds = array<i64: 2000, 128>}]} {
    %get3A = arith.constant 0 : index
    %get3A_0 = arith.constant 0 : index
    %get3A_1 = arith.constant 0 : index
    %get3A_2 = vector.load %arg2[%get3A, %get3A_0, %get3A_1] : memref<2x2000x128xf32, #tpu.memory_space<vmem>>, vector<1x2000x128xf32>
    %get3A_3 = vector.shape_cast %get3A_2 : vector<1x2000x128xf32> to vector<2000x128xf32>
    %get3A_4 = arith.constant 1 : index
    %get3A_5 = arith.constant 0 : index
    %get3A_6 = arith.constant 0 : index
    %get3A_7 = vector.load %arg2[%get3A_4, %get3A_5, %get3A_6] : memref<2x2000x128xf32, #tpu.memory_space<vmem>>, vector<1x2000x128xf32>
    %get3A_8 = vector.shape_cast %get3A_7 : vector<1x2000x128xf32> to vector<2000x128xf32>
    %add3A = arith.addf %get3A_3, %get3A_8 : vector<2000x128xf32>
    %mul3A = arith.constant 3.125000e-02 : f32
    %mul3A_9 = vector.broadcast %mul3A : f32 to vector<2000x128xf32>
    %mul3A_10 = arith.mulf %add3A, %mul3A_9 : vector<2000x128xf32>
    %get3A_11 = arith.constant 0 : index
    %get3A_12 = arith.constant 0 : index
    %get3A_13 = vector.load %arg1[%get3A_11, %get3A_12] : memref<2000x128xf32, #tpu.memory_space<vmem>>, vector<2000x128xf32>
    %get3A_14 = arith.constant 0 : index
    %get3A_15 = arith.constant 0 : index
    %get3A_16 = vector.load %arg3[%get3A_14, %get3A_15] : memref<128x128xf32, #tpu.memory_space<vmem>>, vector<128x128xf32>
    %dot_general3A = arith.constant dense<0.000000e+00> : vector<2000x128xf32>
    %dot_general3A_17 = tpu.matmul %get3A_13, %get3A_16, %dot_general3A {dimension_numbers = #tpu.dot_dimension_numbers<[1], [1], [0], [0], [0, 0, 1, 0], [], []>, transpose_lhs_hint = false} : vector<2000x128xf32>, vector<128x128xf32>, vector<2000x128xf32> -> vector<2000x128xf32>
    %get3A_18 = arith.constant 0 : index
    %get3A_19 = arith.constant 0 : index
    %get3A_20 = vector.load %arg4[%get3A_18, %get3A_19] : memref<128x128xf32, #tpu.memory_space<vmem>>, vector<128x128xf32>
    %dot_general3A_21 = arith.constant dense<0.000000e+00> : vector<2000x128xf32>
    %dot_general3A_22 = tpu.matmul %mul3A_10, %get3A_20, %dot_general3A_21 {dimension_numbers = #tpu.dot_dimension_numbers<[1], [1], [0], [0], [0, 0, 1, 0], [], []>, transpose_lhs_hint = false} : vector<2000x128xf32>, vector<128x128xf32>, vector<2000x128xf32> -> vector<2000x128xf32>
    %add3A_23 = arith.addf %dot_general3A_17, %dot_general3A_22 : vector<2000x128xf32>
    %swap3A = arith.constant 0 : index
    %swap3A_24 = arith.constant 0 : index
    %swap3A_25 = vector.load %arg5[%swap3A, %swap3A_24] : memref<2000x128xf32, #tpu.memory_space<vmem>>, vector<2000x128xf32>
    tpu.vector_store %arg5[%swap3A, %swap3A_24], %add3A_23 {strides = array<i32>} : memref<2000x128xf32, #tpu.memory_space<vmem>>, vector<2000x128xf32>,
    return
  }
  func.func @transform_0(%arg0: i32) -> (i32, i32) {
    %c0_i32 = arith.constant 0 : i32
    %c0_i32_0 = arith.constant 0 : i32
    return %arg0, %c0_i32 : i32, i32
  }
  func.func @transform_1(%arg0: i32) -> (i32, i32, i32) {
    %c0_i32 = arith.constant 0 : i32
    %c0_i32_0 = arith.constant 0 : i32
    %c0_i32_1 = arith.constant 0 : i32
    return %c0_i32, %arg0, %c0_i32_0 : i32, i32, i32
  }
  func.func @transform_2(%arg0: i32) -> (i32, i32) {
    %c0_i32 = arith.constant 0 : i32
    %c0_i32_0 = arith.constant 0 : i32
    %c0_i32_1 = arith.constant 0 : i32
    return %c0_i32, %c0_i32_0 : i32, i32
  }
  func.func @transform_3(%arg0: i32) -> (i32, i32) {
    %c0_i32 = arith.constant 0 : i32
    %c0_i32_0 = arith.constant 0 : i32
    %c0_i32_1 = arith.constant 0 : i32
    return %c0_i32, %c0_i32_0 : i32, i32
  }
  func.func @transform_4(%arg0: i32) -> (i32, i32) {
    %c0_i32 = arith.constant 0 : i32
    %c0_i32_0 = arith.constant 0 : i32
    return %arg0, %c0_i32 : i32, i32
  }
}

</mosaic_0001>

<sc_bundles>
// kernel: gather_offload_async_start
scs
__scs_entry_jumppad:
0x0: {  	(pc) =	sbr.rel $0x88, $3  }
0x1: {  	(tag) =	ssettag $0x0;
	lr =	simm.s32 $0x1  }
0x2: {  	[smem:$0x3F9C] =	sst lr;
	_ =	strace $0xD0000000  }
0x3: {  	_ = 	snop  }
0x4: {  	_ = 	snop  }
0x5: {  	_ = 	snop  }
0x6: {  	_ = 	snop  }
0x7: {  	_ = 	snop  }
__scs_overlays_trampoline_lowered:
0x8: {  	[smem:$0x3FAB] =	sst s0  }
0x9: {  	[smem:$0x3FAC] =	sst s1  }
0xa: {  	[smem:$0x3FAD] =	sst s2  }
0xb: {  	[smem:$0x3FAE] =	sst s3  }
0xc: {  	[smem:$0x3FAF] =	sst s4  }
0xd: {  	[smem:$0x3FB0] =	sst s5  }
0xe: {  	[smem:$0x3FB1] =	sst s6  }
0xf: {  	[smem:$0x3FB2] =	sst s7  }
0x10: {  	[smem:$0x3FB3] =	sst s8  }
0x11: {  	[smem:$0x3FB4] =	sst s9;
	s0 =	simm.s32 @!p0 $0x0  }
0x12: {  	s1 =	sld [smem:$0x3F9A];
	s0 =	simm.s32 @p0 $0x1  }
0x13: {  	[smem:$0x3FB5] =	sst s0;
	s0 =	simm.s32 @!p1 $0x0  }
0x14: {  	s2 =	sld [smem:$0x3F99];
	s0 =	simm.s32 @p1 $0x1  }
0x15: {  	[smem:$0x3FB6] =	sst s0;
	s0 =	simm.s32 @!p2 $0x0  }
0x16: {  	s3 =	sld [smem:$0x3FDB];
	s0 =	simm.s32 @p2 $0x1  }
0x17: {  	s4 =	simm.s32 $0x1BF5;
	[smem:$0x3FB8] =	sst s0  }
0x18: {  	s0 =	sld [smem:$0x3F9B];
	_ =	swait.ge [sflag:s4], $0x0  }
0x19: {  	s7 =	sld [smem:$0x3F9C]  }
0x1a: {  	s8 =	sadd.s32 $0xFFFFE003, lr  }
0x1b: {  	s9 =	sadd.s32 $0xFFFFFEF7, lr;
	s5 =	simm.s32 $0xFFFFFFFF;
	p2 =	slt.u32 s8, $0xFFFFF086  }
0x1c: {  	p1 =	slt.u32 s9, $0xF7A;
	s5 =	simm.s32 @!p2 $0x0  }
0x1d: {  	s5 =	simm.s32 @p1 $0x1;
	p0 =	seq.s32 s7, s2  }
0x1e: {  	s7 =	smul.u32 @!p0 $0xF7A, s2;
	p2 =	seq.s32 @!p0 s5, $0x0  }
0x1f: {  	s9 =	smul.u32 $0xF7A, s1;
	s8 =	simm.s32 @!p0 $0x1BF5;
	p2 =	por !p2, p0  }
0x20: {  	[sflag:s8] =	ssyncset.s32 @!p0 $0xFFFFF086;
	s6 =	sadd.s32 @!p0 s3, s7;
	s7 =	simm.s32 @!p0 $0x108  }
0x21: {  	s3 =	sadd.s32 s3, s9;
	s6 =	sadd.s32 @!p0 $0x88, s6;
	s7 =	simm.s32 @p2 $0x1082  }
0x22: {  	[simem:s7], [sflag:s8] =	dma.local @!p0 [hbm:s6], $0xF7A  }
0x23: {  	s9 =	sor.u32 $0xD0000000, s2;
	s6 =	simm.s32 $0x108;
	_ =	swait.ge @!p0 [sflag:s8], $0x0  }
0x24: {  	s3 =	sadd.s32 $0x88, s3;
	s6 =	simm.s32 @!p1 $0x1082;
	[sflag:s4] =	ssyncset.s32 $0xFFFFF086  }
0x25: {  	[simem:s6], [sflag:s4] =	dma.local [hbm:s3], $0xF7A  }
0x26: {  	[smem:$0x3F9C] =	sst s1;
	(tag) =	ssettag s2;
	_ =	strace s9  }
0x27: {  	s1 =	sld [smem:$0x3FAC]  }
0x28: {  	s2 =	sld [smem:$0x3FAD]  }
0x29: {  	s4 =	sld [smem:$0x3FAF]  }
0x2a: {  	p0 =	seq.s32 s5, $0x0;
	s5 =	sld [smem:$0x3FB0]  }
0x2b: {  	s6 =	sld [smem:$0x3FB1]  }
0x2c: {  	s7 =	sld [smem:$0x3FB2]  }
0x2d: {  	s3 =	simm.s32 $0x108;
	s8 =	sld [smem:$0x3FB3]  }
0x2e: {  	s3 =	simm.s32 @!p0 $0x1082;
	s9 =	sld [smem:$0x3FB4]  }
0x2f: {  	lr =	sadd.s32 s0, s3;
	s0 =	sld [smem:$0x3FAB]  }
0x30: {  	s3 =	sld [smem:$0x3FAE]  }
0x31: {  	[smem:$0x3FB7] =	sst s10  }
0x32: {  	s10 =	sld [smem:$0x3FB5];
	_ =	sdelay $0x3  }
0x33: {  	p0 =	seq.s32 s10, $0x1;
	s10 =	sld [smem:$0x3FB7];
	_ =	sdelay $0x3  }
0x34: {  	[smem:$0x3FB7] =	sst s10  }
0x35: {  	s10 =	sld [smem:$0x3FB6];
	_ =	sdelay $0x3  }
0x36: {  	p1 =	seq.s32 s10, $0x1;
	s10 =	sld [smem:$0x3FB7];
	_ =	sdelay $0x3  }
0x37: {  	[smem:$0x3FB7] =	sst s10  }
0x38: {  	s10 =	sld [smem:$0x3FB8]  }
0x39: {  	_ = 	snop;
	(pc) =	sbr.ind lr, $3  }
0x3a: {  	_ = 	snop  }
0x3b: {  	_ = 	snop  }
0x3c: {  	p2 =	seq.s32 s10, $0x1;
	s10 =	sld [smem:$0x3FB7]  }
0x3d: {  	_ =	shalt  }
0x3e: {  	_ =	shalt  }
0x3f: {  	_ =	shalt  }
0x40: {  	_ =	shalt  }
0x41: {  	_ =	shalt  }
0x42: {  	_ =	shalt  }
0x43: {  	_ =	shalt  }
0x44: {  	_ =	shalt  }
0x45: {  	_ =	shalt  }
0x46: {  	_ =	shalt  }
0x47: {  	_ =	shalt  }
0x48: {  	_ =	shalt  }
0x49: {  	_ =	shalt  }
0x4a: {  	_ =	shalt  }
0x4b: {  	_ =	shalt  }
0x4c: {  	_ =	shalt  }
0x4d: {  	_ =	shalt  }
0x4e: {  	_ =	shalt  }
0x4f: {  	_ =	shalt  }
0x50: {  	_ =	shalt  }
0x51: {  	_ =	shalt  }
0x52: {  	_ =	shalt  }
0x53: {  	_ =	shalt  }
0x54: {  	_ =	shalt  }
0x55: {  	_ =	shalt  }
0x56: {  	_ =	shalt  }
0x57: {  	_ =	shalt  }
0x58: {  	_ =	shalt  }
0x59: {  	_ =	shalt  }
0x5a: {  	_ =	shalt  }
0x5b: {  	_ =	shalt  }
0x5c: {  	_ =	shalt  }
0x5d: {  	_ =	shalt  }
0x5e: {  	_ =	shalt  }
0x5f: {  	_ =	shalt  }
0x60: {  	_ =	shalt  }
0x61: {  	_ =	shalt  }
0x62: {  	_ =	shalt  }
0x63: {  	_ =	shalt  }
0x64: {  	_ =	shalt  }
0x65: {  	_ =	shalt  }
0x66: {  	_ =	shalt  }
0x67: {  	_ =	shalt  }
0x68: {  	_ =	shalt  }
0x69: {  	_ =	shalt  }
0x6a: {  	_ =	shalt  }
0x6b: {  	_ =	shalt  }
0x6c: {  	_ =	shalt  }
0x6d: {  	_ =	shalt  }
0x6e: {  	_ =	shalt  }
0x6f: {  	_ =	shalt  }
0x70: {  	_ =	shalt  }
0x71: {  	_ =	shalt  }
0x72: {  	_ =	shalt  }
0x73: {  	_ =	shalt  }
0x74: {  	_ =	shalt  }
0x75: {  	_ =	shalt  }
0x76: {  	_ =	shalt  }
0x77: {  	_ =	shalt  }
0x78: {  	_ =	shalt  }
0x79: {  	_ =	shalt  }
0x7a: {  	_ =	shalt  }
0x7b: {  	_ =	shalt  }
0x7c: {  	_ =	shalt  }
0x7d: {  	_ =	shalt  }
0x7e: {  	_ =	shalt  }
0x7f: {  	_ =	shalt  }
0x80: {  	_ =	shalt  }
0x81: {  	_ =	shalt  }
0x82: {  	_ =	shalt  }
0x83: {  	_ =	shalt  }
0x84: {  	_ =	shalt  }
0x85: {  	_ =	shalt  }
0x86: {  	_ =	shalt  }
0x87: {  	_ =	shalt  }
.Lfunc_end0:
.L_simem_size_0:
called_computation_lowered:
.L_overlay_start_0:
0x88: {  	s2 =	sld [smem:$0x3FD9]  }
0x89: {  	s3 =	sld [smem:$0x3FFE];
	_ =	sdelay $0x1  }
0x8a: {  	s1 =	srdreg.scid  }
0x8b: {  	s0 =	sand.u32 $0x1, s1  }
0x8c: {  	s16 =	sshll.u32 s0, $0xA;
	s2 =	sadd.s32 s3, s2  }
0x8d: {  	s2 =	sadd.s32 s2, s16  }
0x8e: {  	[smem:$0x3FC3] =	sst s2  }
0x8f: {  	_ = 	snop  }
0x90: {  	(tm) =	ssettm $0x1  }
0x91: {  	s17 =	sld [smem:$0x3FFB];
	_ =	sdelay $0x3  }
0x92: {  	_ =	strace s17  }
0x93: {  	s2 =	sld [smem:$0x3FFC];
	_ =	sdelay $0x3  }
0x94: {  	_ =	strace s2  }
0x95: {  	s2 =	sld [smem:$0x3FFD];
	_ =	sdelay $0x3  }
0x96: {  	_ =	strace s2  }
0x97: {  	_ =	strace $0x8FFFFFFF  }
0x98: {  	s18 =	sld [smem:$0x3FDB];
	_ =	sdelay $0x1  }
0x99: {  	s19 =	simm.s32 $_scs_section_size  }
0x9a: {  	s4 =	simm.s32 $_size__tile_overlayer_lowered;
	s5 =	simm.s32 $_tile_overlayer_lowered  }
0x9b: {  	s22 =	simm.s32 $0x1BFF;
	s21 =	sshll.u32 s5, $0x1;
	s2 =	sadd.s32 s19, s18  }
0x9c: {  	s6 =	simm.s32 $0x0;
	s20 =	sshll.u32 s4, $0x1;
	s4 =	sadd.s32 s21, s2  }
0x9d: {  	[timem:s6], [sflag:s22] =	dma.local [hbm:s4], s20  }
0x9e: {  	_ =	swait.ge [sflag:s22], s20  }
0x9f: {  	s3 =	ssub.s32 $0x0, s20;
	[sflag:s22] =	ssyncset.done $0x0  }
0xa0: {  	[sflag:s22] =	ssyncadd.s32 s3;
	_ =	sdelay $0x1  }
0xa1: {  	s23 =	simm.s32 $0x1B8B  }
0xa2: {  	_ =	swait.ge [sflag:s23], $0x1  }
0xa3: {  	[sflag:s23] =	ssyncset.done $0x0  }
0xa4: {  	s25 =	simm.s32 $0x1B8E;
	s24 =	sld [smem:$0x3FFE];
	[sflag:s23] =	ssyncadd.s32 $0xFFFFFFFF  }
0xa5: {  	s26 =	simm.s32 $execute0_lowered;
	[smem:$0x3FD2] =	sst s25  }
0xa6: {  	s4 =	sshll.u32 s26, $0x1;
	_ =	strace $0x80000046;
	[dreg:$0x1] =	wrdreg $0xFFFFFFFF  }
0xa7: {  	s28 =	simm.s32 $_size_execute0_lowered;
	s2 =	sadd.s32 s2, s4;
	[dreg:$0x0] =	wrdreg $0x0  }
0xa8: {  	s4 =	sshll.u32 s28, $0x1;
	[dreg:$0x2] =	wrdreg s2  }
0xa9: {  	[dreg:$0x3] =	wrdreg s4  }
0xaa: {  	[dreg:$0x4] =	wrdreg $0xC0  }
0xab: {  	_ =	task [dreg:s6], $0x5FFFF  }
0xac: {  	[dreg:$0x1] =	wrdreg $0xFFFFFFFF  }
0xad: {  	[dreg:$0x0] =	wrdreg $0x60  }
0xae: {  	[dreg:$0x2] =	wrdreg s24  }
0xaf: {  	[dreg:$0x3] =	wrdreg $0x9  }
0xb0: {  	_ =	task.clear_ibuf [dreg:s6], $0x4FFFF;
	_ =	strace $0x90000046  }
0xb1: {  	s29 =	simm.s32 $0x9;
	_ =	strace $0x80000048  }
0xb2: {  	_ =	swait.ge [sflag:s29], $0x1  }
0xb3: {  	[sflag:s29] =	ssyncadd.s32 $0xFFFFFFFF  }
0xb4: {  	_ =	strace $0x90000048  }
0xb5: {  	_ =	sfence  }
0xb6: {  	s30 =	sld [smem:$0x0];
	_ =	sdelay $0x2  }
0xb7: {  	s31 =	sshll.u32 s1, $0xD;
	s1 =	sshrl.u32 s1, $0x2  }
0xb8: {  	s3 =	sand.u32 $0x4000, s31;
	s1 =	sadd.s32 s1, s30  }
0xb9: {  	s0 =	sor.u32 s3, s0;
	s1 =	sshll.u32 s1, $0x11  }
0xba: {  	s0 =	sor.u32 s1, s0  }
0xbb: {  	s0 =	sadd.s32 $0x8F2B, s0  }
0xbc: {  	[sflag:s0] =	ssyncadd.remote.s32 $0x1  }
0xbd: {  	_ =	sfence.sel $0xFFFF  }
0xbe: {  	[dreg:$0x0] =	wrdreg $0xFFFFFFFF;
	(pc) =	sbr.abs _section_cstart, $3  }
0xbf: {  	[dreg:$0x1] =	wrdreg $0xFFFFFFFF  }
0xc0: {  	_ =	task.clear_ibuf [dreg:s6], $0x2FFFF;
	_ =	strace $0x9FFFFFFF  }
0xc1: {  	(tm) =	ssettm $0x7FFFFFFF  }
tec
execute0_lowered:
.L_overlay_start_1:
0x0: {  	(tag) =	ssettag $0x1  }
0x1: {  	s0 =	srdreg.scid  }
0x2: {  	s1 =	sshll.u32 s0, $0x4  }
0x3: {  	s0 =	stileid.u32;
	s1 =	sand.u32 $0x10, s1  }
0x4: {  	s9 =	rddreg [dreg:$0x0];
	s1 =	sor.u32 s0, s1  }
0x5: {  	s6 =	simm.s32 $0x1;
	s2 =	smin.u32 s1, $0x12;
	s3 =	sshll.u32 s1, $0x6  }
0x6: {  	p0 =	slt.u32 s1, $0x12;
	s1 =	simm.s32 $0x60;
	s2 =	sshll.u32 s2, $0x5  }
0x7: {  	s7 =	simm.s32 $0x2;
	s1 =	simm.s32 @!p0 $0x40;
	s2 =	sadd.s32 s3, s2  }
0x8: {  	s10 =	simm.s32 $0x3;
	s13 =	simm.s32 $0x0;
	s3 =	sadd.s32 s1, s2  }
0x9: {  	s12 =	simm.s32 $0x0;
	s4 =	sadd.s32 $0x2400, s9;
	s3 =	smin.u32 s3, $0xA40  }
.Ltmp0:
0xa: {  	s5 =	sadd.s32 $0x2200, s9;
	s8 =	ssub.s32 s3, s2;
	(pc) =	sbr.rel .LBB2_1-.Ltmp0, $4  }
0xb: {  	s1 =	rddreg [dreg:$0x1];
	_ =	strace $0x80000047;
	p0 =	sgt.s32 s8, $0x0  }
0xc: {  	s9 =	sadd.s32 $0x16800, s9;
	[sflag:s6] =	ssyncpa.u1 $0x0;
	s8 =	simm.s32 @!p0 $0x0  }
0xd: {  	s11 =	smov.u32 s2;
	[sflag:s7] =	ssyncpa.u1 $0x0;
	s8 =	sshrl.u32 s8, $0x5  }
0xe: {  	vm0 =	vmmov $0xff;
	vm1 =	vcmask $0x3F20;
	[sflag:s10] =	ssyncpa.u1 $0x0;
	p0 =	por $0x0, $0x0;
	s10 =	sadd.s32 $0x1, s8  }
.LBB2_6:
0xf: {  	[hbm:s17] =	stream.linear.scatter [tilespmem:s14], [sflag:$0x3], $0x400, $0x38;
	[tilespmem:$0x2040] =	vst v63  }
.LBB2_7:
0x10: {  	s13 =	sadd.s32 $0x20, s11  }
0x11: {  	s15 =	smov.u32 s2;
	p2 =	slt.s32 s13, s3  }
0x12: {  	s15 =	smov.u32 @p2 s13;
	p2 =	sne.s32 s12, s10  }
.Ltmp1:
0x13: {  	p1 =	slt.u32 s12, $0x2;
	(pc) =	sbr.rel @!p2 .LBB2_8-.Ltmp1, $4  }
0x14: {  	s14 =	simm.s32 @!p1 $0x3  }
0x15: {  	s16 =	sadd.s32 $0x1, s12;
	_ =	swait.ge @!p1 [sflag:s14], $0x1000  }
0x16: {  	p0 =	por !p0, !p0;
	s13 =	smov.u32 s11;
	[sflag:s14] =	ssyncset.done @!p1 $0x0  }
0x17: {  	s12 =	smov.u32 s16;
	s11 =	smov.u32 s15;
	[sflag:s14] =	ssyncadd.s32 @!p1 $0xFFFFF000  }
.LBB2_1:
0x18: {  	p1 =	sge.u32 s12, s8  }
0x19: {  	s14 =	sxor.u32 @!p1 $0xFFFFFFFF, s12  }
0x1a: {  	s31 =	sadd.s32 $0xFFFFFFFF, s12;
	s15 =	sshrl.u32 @!p1 s11, $0x3;
	s14 =	sshll.u32 @!p1 s14, $0x5  }
0x1b: {  	s16 =	sand.u32 @!p1 $0x7, s11;
	s15 =	sadd.s32 @!p1 s5, s15;
	s14 =	sand.u32 @!p1 $0x20, s14  }
0x1c: {  	[tilespmem:s14], [sflag:$0x2] =	stream.linear.gather @!p1 [hbm4b:s15+s16], $0x20, $0x38;
	[tilespmem:$0x2040] =	vst v63  }
0x1d: {  	p1 =	sge.u32 s31, s8  }
.Ltmp2:
0x1e: {  	_ = 	snop;
	(pc) =	sbr.rel @p1 .LBB2_7-.Ltmp2, $1  }
0x1f: {  	_ =	sdelay $0x3  }
0x20: {  	s14 =	simm.s32 $0x1  }
0x21: {  	_ =	swait.ge [sflag:s7], $0x20;
	s16 =	sand.u32 $0x1, s12;
	s17 =	simm.s32 $0x0  }
0x22: {  	p1 =	por $0x1, $0x1;
	s14 =	simm.s32 @!p0 $0x0;
	[sflag:s7] =	ssyncset.done $0x0  }
0x23: {  	s15 =	sshll.u32 s16, $0x5;
	s16 =	sshll.u32 s16, $0xC;
	s14 =	sshll.u32 s14, $0xC  }
0x24: {  	[sflag:s7] =	ssyncadd.s32 $0xFFFFFFE0;
	s16 =	sor.u32 $0x40, s16;
	s14 =	sor.u32 $0x40, s14  }
.LBB2_3:
0x25: {  	s18 =	sshll.u32 s17, $0x4  }
0x26: {  	s18 =	sand.u32 $0x3FFFFFF0, s18  }
0x27: {  	s18 =	sadd.s32 s18, s15  }
0x28: {  	v0 =	vld.msk [tilespmem:s18+$0x0 ss:$0x1], $0xffff;
	_ =	sdelay $0x4  }
0x29: {  	vm2 =	vgt.s32 v0, $0x0  }
0x2a: {  	v0 =	vnsel vm2, $0x0, v0  }
0x2b: {  	v0 =	vmin.u32 v0, $0xA01  }
0x2c: {  	v0 =	vshll.u32 v0, $0x4;
	_ =	sdelay $0x1  }
0x2d: {  	s31 =	sshll.u32 s17, $0xB  }
0x2e: {  	p2 =	por p1, p1;
	s17 =	sand.u32 $0x3FFFF800, s31  }
.Ltmp3:
0x2f: {  	s17 =	sadd.s32 s17, s16;
	(pc) =	sbr.rel @p2 .LBB2_3-.Ltmp3, $4  }
0x30: {  	[tilespmem:s17], [sflag:$0x1] =	stream.indirect_vreg.gather [hbm:s4], $0x80, v0, vm0, $0x38;
	[tilespmem:$0x2040] =	vst v63  }
0x31: {  	s17 =	sadd.s32 $0x400, s17  }
0x32: {  	[tilespmem:s17], [sflag:$0x1] =	stream.indirect_vreg.gather [hbm:s4], $0x80, v0, vm1, $0x38;
	[tilespmem:$0x2040] =	vst v63  }
0x33: {  	p1 =	por $0x0, $0x0;
	s17 =	simm.s32 $0x1  }
0x34: {  	_ =	swait.ge [sflag:s6], $0x1000;
	s13 =	sshll.u32 s13, $0x4  }
0x35: {  	s15 =	simm.s32 $0x80;
	[sflag:s6] =	ssyncset.done $0x0;
	s13 =	sadd.s32 s13, s9  }
0x36: {  	s16 =	sadd.s32 $0x400, s14;
	[sflag:s6] =	ssyncadd.s32 $0xFFFFF000;
	s17 =	sadd.s32 $0x0, s13  }
.LBB2_5:
0x37: {  	[hbm:s17] =	stream.linear.scatter [tilespmem:s14], [sflag:$0x3], $0x400, $0x38;
	[tilespmem:$0x2040] =	vst v63  }
0x38: {  	s17 =	smov.u32 s15;
	s14 =	smov.u32 s16;
	p1 =	sne.s32 s15, $0x180  }
.Ltmp4:
0x39: {  	s15 =	sadd.s32 $0x80, s15;
	(pc) =	sbr.rel @p1 .LBB2_5-.Ltmp4, $2  }
0x3a: {  	_ =	sdelay $0x2  }
0x3b: {  	s16 =	sadd.s32 $0x400, s16;
	s17 =	sadd.s32 s17, s13  }
.Ltmp5:
0x3c: {  	_ = 	snop;
	(pc) =	sbr.rel .LBB2_6-.Ltmp5, $1  }
0x3d: {  	_ =	sdelay $0x3  }
.LBB2_8:
0x3e: {  	_ =	sfence.sel $0x180000  }
0x3f: {  	s2 =	simm.s32 $0x2;
	[bflag:$0x0] =	sbarrier.arrive $0xFFFF  }
0x40: {  	s30 =	simm.s32 $0x3;
	[sflag:s2] =	ssyncpa.u1 $0x1  }
0x41: {  	s31 =	simm.s32 $0x1;
	[sflag:s30] =	ssyncpa.u1 $0x1  }
0x42: {  	[sflag:s31] =	ssyncpa.u1 $0x1  }
0x43: {  	p0 =	sne.s32 s0, $0x0;
	_ =	strace $0x90000047  }
0x44: {  	s0 =	sadd.s32 @!p0 $0x100000, s1;
	[bflag:$0x2] =	sbarrier.arrive $0xFFFF  }
0x45: {  	[sflag:s0] =	ssyncadd.tile.s32 @!p0 $0x1;
	_ =	shalt  }
.Lfunc_end2:
_tile_overlayer_lowered:
.L_overlay_start_2:
0x46: {  	(tag) =	ssettag $0x2  }
0x47: {  	s0 =	rddreg [dreg:$0x0];
	s2 =	stileid.u32  }
0x48: {  	s1 =	rddreg [dreg:$0x1];
	p0 =	sne.s32 s2, $0x0  }
0x49: {  	s3 =	rddreg [dreg:$0x2];
	[bflag:$0x3] =	sbarrier.arrive $0xFFFF;
	s2 =	simm.s32 @!p0 $0x1C01  }
0x4a: {  	[timem:s3], [sflag:s2] =	dma.local @!p0 [hbm:s0], s1  }
0x4b: {  	s0 =	simm.s32 @!p0 $0x1  }
0x4c: {  	_ =	swait.ge @!p0 [sflag:s0], s1  }
0x4d: {  	s1 =	ssub.s32 @!p0 $0x0, s1;
	[sflag:s0] =	ssyncset.done @!p0 $0x0  }
0x4e: {  	[sflag:s0] =	ssyncadd.s32 @!p0 s1  }
0x4f: {  	[bflag:$0x3] =	sbarrier.arrive $0xFFFF  }
0x50: {  	_ =	shalt  }

// kernel: kernel.12.cloned.1.call-start
scs
__scs_entry_jumppad:
0x0: {  	(pc) =	sbr.rel $0x88, $3  }
0x1: {  	(tag) =	ssettag $0x0;
	lr =	simm.s32 $0x1  }
0x2: {  	[smem:$0x3F9C] =	sst lr;
	_ =	strace $0xD0000000  }
0x3: {  	_ = 	snop  }
0x4: {  	_ = 	snop  }
0x5: {  	_ = 	snop  }
0x6: {  	_ = 	snop  }
0x7: {  	_ = 	snop  }
__scs_overlays_trampoline_lowered:
0x8: {  	[smem:$0x3FAB] =	sst s0  }
0x9: {  	[smem:$0x3FAC] =	sst s1  }
0xa: {  	[smem:$0x3FAD] =	sst s2  }
0xb: {  	[smem:$0x3FAE] =	sst s3  }
0xc: {  	[smem:$0x3FAF] =	sst s4  }
0xd: {  	[smem:$0x3FB0] =	sst s5  }
0xe: {  	[smem:$0x3FB1] =	sst s6  }
0xf: {  	[smem:$0x3FB2] =	sst s7  }
0x10: {  	[smem:$0x3FB3] =	sst s8  }
0x11: {  	[smem:$0x3FB4] =	sst s9;
	s0 =	simm.s32 @!p0 $0x0  }
0x12: {  	s1 =	sld [smem:$0x3F9A];
	s0 =	simm.s32 @p0 $0x1  }
0x13: {  	[smem:$0x3FB5] =	sst s0;
	s0 =	simm.s32 @!p1 $0x0  }
0x14: {  	s2 =	sld [smem:$0x3F99];
	s0 =	simm.s32 @p1 $0x1  }
0x15: {  	[smem:$0x3FB6] =	sst s0;
	s0 =	simm.s32 @!p2 $0x0  }
0x16: {  	s3 =	sld [smem:$0x3FDB];
	s0 =	simm.s32 @p2 $0x1  }
0x17: {  	s4 =	simm.s32 $0x1BF5;
	[smem:$0x3FB8] =	sst s0  }
0x18: {  	s0 =	sld [smem:$0x3F9B];
	_ =	swait.ge [sflag:s4], $0x0  }
0x19: {  	s7 =	sld [smem:$0x3F9C]  }
0x1a: {  	s8 =	sadd.s32 $0xFFFFE003, lr  }
0x1b: {  	s9 =	sadd.s32 $0xFFFFFEF7, lr;
	s5 =	simm.s32 $0xFFFFFFFF;
	p2 =	slt.u32 s8, $0xFFFFF086  }
0x1c: {  	p1 =	slt.u32 s9, $0xF7A;
	s5 =	simm.s32 @!p2 $0x0  }
0x1d: {  	s5 =	simm.s32 @p1 $0x1;
	p0 =	seq.s32 s7, s2  }
0x1e: {  	s7 =	smul.u32 @!p0 $0xF7A, s2;
	p2 =	seq.s32 @!p0 s5, $0x0  }
0x1f: {  	s9 =	smul.u32 $0xF7A, s1;
	s8 =	simm.s32 @!p0 $0x1BF5;
	p2 =	por !p2, p0  }
0x20: {  	[sflag:s8] =	ssyncset.s32 @!p0 $0xFFFFF086;
	s6 =	sadd.s32 @!p0 s3, s7;
	s7 =	simm.s32 @!p0 $0x108  }
0x21: {  	s3 =	sadd.s32 s3, s9;
	s6 =	sadd.s32 @!p0 $0x88, s6;
	s7 =	simm.s32 @p2 $0x1082  }
0x22: {  	[simem:s7], [sflag:s8] =	dma.local @!p0 [hbm:s6], $0xF7A  }
0x23: {  	s9 =	sor.u32 $0xD0000000, s2;
	s6 =	simm.s32 $0x108;
	_ =	swait.ge @!p0 [sflag:s8], $0x0  }
0x24: {  	s3 =	sadd.s32 $0x88, s3;
	s6 =	simm.s32 @!p1 $0x1082;
	[sflag:s4] =	ssyncset.s32 $0xFFFFF086  }
0x25: {  	[simem:s6], [sflag:s4] =	dma.local [hbm:s3], $0xF7A  }
0x26: {  	[smem:$0x3F9C] =	sst s1;
	(tag) =	ssettag s2;
	_ =	strace s9  }
0x27: {  	s1 =	sld [smem:$0x3FAC]  }
0x28: {  	s2 =	sld [smem:$0x3FAD]  }
0x29: {  	s4 =	sld [smem:$0x3FAF]  }
0x2a: {  	p0 =	seq.s32 s5, $0x0;
	s5 =	sld [smem:$0x3FB0]  }
0x2b: {  	s6 =	sld [smem:$0x3FB1]  }
0x2c: {  	s7 =	sld [smem:$0x3FB2]  }
0x2d: {  	s3 =	simm.s32 $0x108;
	s8 =	sld [smem:$0x3FB3]  }
0x2e: {  	s3 =	simm.s32 @!p0 $0x1082;
	s9 =	sld [smem:$0x3FB4]  }
0x2f: {  	lr =	sadd.s32 s0, s3;
	s0 =	sld [smem:$0x3FAB]  }
0x30: {  	s3 =	sld [smem:$0x3FAE]  }
0x31: {  	[smem:$0x3FB7] =	sst s10  }
0x32: {  	s10 =	sld [smem:$0x3FB5];
	_ =	sdelay $0x3  }
0x33: {  	p0 =	seq.s32 s10, $0x1;
	s10 =	sld [smem:$0x3FB7];
	_ =	sdelay $0x3  }
0x34: {  	[smem:$0x3FB7] =	sst s10  }
0x35: {  	s10 =	sld [smem:$0x3FB6];
	_ =	sdelay $0x3  }
0x36: {  	p1 =	seq.s32 s10, $0x1;
	s10 =	sld [smem:$0x3FB7];
	_ =	sdelay $0x3  }
0x37: {  	[smem:$0x3FB7] =	sst s10  }
0x38: {  	s10 =	sld [smem:$0x3FB8]  }
0x39: {  	_ = 	snop;
	(pc) =	sbr.ind lr, $3  }
0x3a: {  	_ = 	snop  }
0x3b: {  	_ = 	snop  }
0x3c: {  	p2 =	seq.s32 s10, $0x1;
	s10 =	sld [smem:$0x3FB7]  }
0x3d: {  	_ =	shalt  }
0x3e: {  	_ =	shalt  }
0x3f: {  	_ =	shalt  }
0x40: {  	_ =	shalt  }
0x41: {  	_ =	shalt  }
0x42: {  	_ =	shalt  }
0x43: {  	_ =	shalt  }
0x44: {  	_ =	shalt  }
0x45: {  	_ =	shalt  }
0x46: {  	_ =	shalt  }
0x47: {  	_ =	shalt  }
0x48: {  	_ =	shalt  }
0x49: {  	_ =	shalt  }
0x4a: {  	_ =	shalt  }
0x4b: {  	_ =	shalt  }
0x4c: {  	_ =	shalt  }
0x4d: {  	_ =	shalt  }
0x4e: {  	_ =	shalt  }
0x4f: {  	_ =	shalt  }
0x50: {  	_ =	shalt  }
0x51: {  	_ =	shalt  }
0x52: {  	_ =	shalt  }
0x53: {  	_ =	shalt  }
0x54: {  	_ =	shalt  }
0x55: {  	_ =	shalt  }
0x56: {  	_ =	shalt  }
0x57: {  	_ =	shalt  }
0x58: {  	_ =	shalt  }
0x59: {  	_ =	shalt  }
0x5a: {  	_ =	shalt  }
0x5b: {  	_ =	shalt  }
0x5c: {  	_ =	shalt  }
0x5d: {  	_ =	shalt  }
0x5e: {  	_ =	shalt  }
0x5f: {  	_ =	shalt  }
0x60: {  	_ =	shalt  }
0x61: {  	_ =	shalt  }
0x62: {  	_ =	shalt  }
0x63: {  	_ =	shalt  }
0x64: {  	_ =	shalt  }
0x65: {  	_ =	shalt  }
0x66: {  	_ =	shalt  }
0x67: {  	_ =	shalt  }
0x68: {  	_ =	shalt  }
0x69: {  	_ =	shalt  }
0x6a: {  	_ =	shalt  }
0x6b: {  	_ =	shalt  }
0x6c: {  	_ =	shalt  }
0x6d: {  	_ =	shalt  }
0x6e: {  	_ =	shalt  }
0x6f: {  	_ =	shalt  }
0x70: {  	_ =	shalt  }
0x71: {  	_ =	shalt  }
0x72: {  	_ =	shalt  }
0x73: {  	_ =	shalt  }
0x74: {  	_ =	shalt  }
0x75: {  	_ =	shalt  }
0x76: {  	_ =	shalt  }
0x77: {  	_ =	shalt  }
0x78: {  	_ =	shalt  }
0x79: {  	_ =	shalt  }
0x7a: {  	_ =	shalt  }
0x7b: {  	_ =	shalt  }
0x7c: {  	_ =	shalt  }
0x7d: {  	_ =	shalt  }
0x7e: {  	_ =	shalt  }
0x7f: {  	_ =	shalt  }
0x80: {  	_ =	shalt  }
0x81: {  	_ =	shalt  }
0x82: {  	_ =	shalt  }
0x83: {  	_ =	shalt  }
0x84: {  	_ =	shalt  }
0x85: {  	_ =	shalt  }
0x86: {  	_ =	shalt  }
0x87: {  	_ =	shalt  }
.Lfunc_end0:
.L_simem_size_0:
called_computation.2_lowered:
.L_overlay_start_0:
0x88: {  	s2 =	sld [smem:$0x3FD9]  }
0x89: {  	s3 =	sld [smem:$0x3FFE];
	_ =	sdelay $0x1  }
0x8a: {  	s1 =	srdreg.scid  }
0x8b: {  	s0 =	sand.u32 $0x1, s1  }
0x8c: {  	s17 =	sshll.u32 s0, $0xA;
	s2 =	sadd.s32 s3, s2  }
0x8d: {  	s2 =	sadd.s32 s2, s17  }
0x8e: {  	[smem:$0x3FC3] =	sst s2  }
0x8f: {  	_ = 	snop  }
0x90: {  	s2 =	sld [smem:$0x3FD0];
	(tm) =	ssettm $0x1  }
0x91: {  	s18 =	sld [smem:$0x3FFB];
	_ =	sdelay $0x3  }
0x92: {  	_ =	strace s18  }
0x93: {  	s3 =	sld [smem:$0x3FFC];
	_ =	sdelay $0x3  }
0x94: {  	_ =	strace s3  }
0x95: {  	s3 =	sld [smem:$0x3FFD];
	_ =	sdelay $0x3  }
0x96: {  	_ =	strace s3  }
0x97: {  	_ =	strace $0x8FFFFFFF  }
0x98: {  	s19 =	sld [smem:$0x3FDB];
	_ =	sdelay $0x1  }
0x99: {  	s4 =	simm.s32 $_scs_section_size  }
0x9a: {  	s5 =	simm.s32 $_size__tile_overlayer_lowered;
	s6 =	simm.s32 $_tile_overlayer_lowered  }
0x9b: {  	s22 =	simm.s32 $0x1BFF;
	s21 =	sshll.u32 s6, $0x1;
	s3 =	sadd.s32 s4, s19  }
0x9c: {  	s7 =	simm.s32 $0x0;
	s20 =	sshll.u32 s5, $0x1;
	s5 =	sadd.s32 s21, s3  }
0x9d: {  	[timem:s7], [sflag:s22] =	dma.local [hbm:s5], s20  }
0x9e: {  	_ =	swait.ge [sflag:s22], s20  }
0x9f: {  	s4 =	ssub.s32 $0x0, s20;
	[sflag:s22] =	ssyncset.done $0x0  }
0xa0: {  	[sflag:s22] =	ssyncadd.s32 s4;
	_ =	sdelay $0x1  }
0xa1: {  	s23 =	simm.s32 $0x1B8B  }
0xa2: {  	_ =	swait.ge [sflag:s23], $0x1  }
0xa3: {  	[sflag:s23] =	ssyncset.done $0x0  }
0xa4: {  	s25 =	simm.s32 $0x1B8E;
	s24 =	sld [smem:$0x3FFE];
	[sflag:s23] =	ssyncadd.s32 $0xFFFFFFFF  }
0xa5: {  	s26 =	simm.s32 $execute0_lowered;
	[smem:$0x3FD2] =	sst s25  }
0xa6: {  	s5 =	sshll.u32 s26, $0x1;
	_ =	strace $0x8000004C;
	[dreg:$0x1] =	wrdreg $0xFFFFFFFF  }
0xa7: {  	s28 =	simm.s32 $_size_execute0_lowered;
	s3 =	sadd.s32 s3, s5;
	[dreg:$0x0] =	wrdreg $0x0  }
0xa8: {  	s5 =	sshll.u32 s28, $0x1;
	[dreg:$0x2] =	wrdreg s3  }
0xa9: {  	[dreg:$0x3] =	wrdreg s5  }
0xaa: {  	[dreg:$0x4] =	wrdreg $0xC0  }
0xab: {  	_ =	task [dreg:s7], $0x5FFFF  }
0xac: {  	[dreg:$0x1] =	wrdreg $0xFFFFFFFF  }
0xad: {  	[dreg:$0x0] =	wrdreg $0x60  }
0xae: {  	[dreg:$0x2] =	wrdreg s2  }
0xaf: {  	[dreg:$0x3] =	wrdreg s24  }
0xb0: {  	[dreg:$0x4] =	wrdreg $0xAD000  }
0xb1: {  	[dreg:$0x5] =	wrdreg $0x9  }
0xb2: {  	_ =	task.clear_ibuf [dreg:s7], $0x6FFFF;
	_ =	strace $0x9000004C  }
0xb3: {  	s29 =	simm.s32 $0x9;
	_ =	strace $0x8000004E  }
0xb4: {  	_ =	swait.ge [sflag:s29], $0x1  }
0xb5: {  	[sflag:s29] =	ssyncadd.s32 $0xFFFFFFFF  }
0xb6: {  	_ =	strace $0x9000004E  }
0xb7: {  	_ =	sfence  }
0xb8: {  	s30 =	sld [smem:$0x0];
	_ =	sdelay $0x2  }
0xb9: {  	s31 =	sshll.u32 s1, $0xD;
	s1 =	sshrl.u32 s1, $0x2  }
0xba: {  	s3 =	sand.u32 $0x4000, s31;
	s1 =	sadd.s32 s1, s30  }
0xbb: {  	s0 =	sor.u32 s3, s0;
	s1 =	sshll.u32 s1, $0x11  }
0xbc: {  	s0 =	sor.u32 s1, s0  }
0xbd: {  	s0 =	sadd.s32 $0x8F2B, s0  }
0xbe: {  	[sflag:s0] =	ssyncadd.remote.s32 $0x1  }
0xbf: {  	_ =	sfence.sel $0xFFFF  }
0xc0: {  	[dreg:$0x0] =	wrdreg $0xFFFFFFFF;
	(pc) =	sbr.abs _section_cstart, $3  }
0xc1: {  	[dreg:$0x1] =	wrdreg $0xFFFFFFFF  }
0xc2: {  	_ =	task.clear_ibuf [dreg:s7], $0x2FFFF;
	_ =	strace $0x9FFFFFFF  }
0xc3: {  	(tm) =	ssettm $0x7FFFFFFF  }
tec
execute0_lowered:
.L_overlay_start_1:
0x0: {  	(tag) =	ssettag $0x1  }
0x1: {  	s1 =	rddreg [dreg:$0x0]  }
0x2: {  	s6 =	rddreg [dreg:$0x1]  }
0x3: {  	s0 =	srdreg.scid;
	s3 =	rddreg [dreg:$0x2];
	s4 =	simm.s32 $0x0  }
0x4: {  	s17 =	simm.s32 $0x2C00;
	s18 =	simm.s32 $0x2C80;
	s19 =	simm.s32 $0x80  }
0x5: {  	s20 =	simm.s32 $0x2D00;
	s10 =	sand.u32 $0x1, s0;
	s0 =	stileid.u32  }
0x6: {  	s21 =	simm.s32 $0x6D00;
	s22 =	simm.s32 $0x1;
	s8 =	smul.u32 $0x50000, s0  }
0x7: {  	s28 =	simm.s32 $0x0;
	[smem:$0x7FF] =	sst s4;
	s14 =	smul.u32 $0x138800, s10  }
0x8: {  	s12 =	sadd.s32 $0xC600, s6;
	s15 =	sadd.s32 $0x2BC00, s6;
	s16 =	smul.u32 $0x14000, s0  }
0x9: {  	s25 =	sadd.s32 $0x12C000, s3;
	s2 =	sshll.u32 s10, $0x4;
	s24 =	smul.u32 $0x5000, s10  }
0xa: {  	_ =	strace $0x8000004D;
	s9 =	ssub.s32 $0x2, s10;
	s29 =	smul.u32 $0x500, s0  }
0xb: {  	s31 =	sshll.u32 s0, $0x6;
	p0 =	seq.s32 s0, $0xF;
	s5 =	sor.u32 s0, s2  }
0xc: {  	s13 =	sshrl.u32 s9, $0x1;
	s25 =	sshrl.u32 @p0 s25, $0x3;
	s7 =	smul.u32 $0x580, s5  }
0xd: {  	s11 =	smul.u32 $0x500, s5;
	s5 =	sadd.s32 $0x2200, s6;
	s13 =	ssub.s32 s9, s13  }
0xe: {  	s8 =	sshrl.u32 s8, $0x2;
	s23 =	sadd.s32 s16, s14;
	s14 =	sshrl.u32 s14, $0x3  }
0xf: {  	s30 =	sadd.s32 s24, s12;
	s24 =	simm.s32 $0x2;
	s8 =	sadd.s32 s8, s3  }
0x10: {  	s26 =	sadd.s32 s15, s14;
	s14 =	simm.s32 $0x5;
	s7 =	sadd.s32 s7, s6  }
0x11: {  	s16 =	sshrl.u32 s8, $0x3;
	s6 =	sadd.s32 $0x20C00, s7;
	s7 =	sadd.s32 s12, s11  }
0x12: {  	s11 =	sshrl.u32 s23, $0x3;
	s12 =	smax.u32 s13, $0x1;
	s13 =	sadd.s32 s29, s30  }
0x13: {  	s23 =	simm.s32 $0x3;
	s9 =	sadd.s32 $0x10, s7;
	s10 =	sadd.s32 s15, s11  }
0x14: {  	s11 =	sadd.s32 $0x25800, s26;
	s15 =	sor.u32 $0x1C05, s31;
	s26 =	simm.s32 $0x4  }
.LBB2_1:
0x15: {  	[tilespmem:s4], [sflag:$0x5] =	stream.linear.gather [hbm4b:s6+s4], $0x2900, $0x38;
	[tilespmem:$0x1ED00] =	vst v63  }
0x16: {  	_ =	swait.ge [sflag:s14], $0x2900  }
0x17: {  	[sflag:s14] =	ssyncset.done $0x0  }
0x18: {  	[sflag:s14] =	ssyncadd.s32 $0xFFFFD700  }
0x19: {  	[spmem:s16], [sflag:s15] =	dma.local [hbm:s5], $0x2800  }
0x1a: {  	_ =	swait.ge [sflag:s14], $0x2800  }
0x1b: {  	[sflag:s14] =	ssyncset.done $0x0  }
0x1c: {  	[sflag:s14] =	ssyncadd.s32 $0xFFFFD800  }
0x1d: {  	[bflag:$0x0] =	sbarrier.arrive $0xFFFF  }
0x1e: {  	[tilespmem:s17], [sflag:$0x3] =	stream.linear.gather [hbm4b:s7+s4], $0x80, $0x38;
	[tilespmem:$0x1ED00] =	vst v63  }
0x1f: {  	_ = 	snop  }
0x20: {  	[tilespmem:s18], [sflag:$0x4] =	stream.linear.gather [hbm4b:s9+s4], $0x80, $0x38;
	[tilespmem:$0x1ED00] =	vst v63  }
0x21: {  	_ = 	snop  }
0x22: {  	[tilespmem:s20], [sflag:$0x1] =	stream.indirect.gather [hbm4b:s1+s19], $0x80, s4, s19, $0xb8;
	[tilespmem:$0x1ED00] =	vst v63  }
0x23: {  	_ = 	snop  }
0x24: {  	[tilespmem:s21], [sflag:$0x2] =	stream.indirect.gather [hbm4b:s1+s19], $0x80, s19, s19, $0xb8;
	[tilespmem:$0x1ED00] =	vst v63  }
0x25: {  	_ =	swait.ge [sflag:s22], $0x4000  }
0x26: {  	[sflag:s22] =	ssyncset.done $0x0  }
0x27: {  	[sflag:s22] =	ssyncadd.s32 $0xFFFFC000  }
0x28: {  	_ =	swait.ge [sflag:s23], $0x80  }
0x29: {  	[sflag:s23] =	ssyncset.done $0x0  }
0x2a: {  	[sflag:s23] =	ssyncadd.s32 $0xFFFFFF80  }
0x2b: {  	[spmem:s3] =	stream.indirect.scatter.add.f32 [tilespmem:s20], [sflag:$0x5], $0x80, s17, s19, $0xb8;
	[tilespmem:$0x1ED00] =	vst v63  }
0x2c: {  	_ =	swait.ge [sflag:s14], $0x4000  }
0x2d: {  	s29 =	sadd.s32 $0x0, s13;
	[sflag:s14] =	ssyncset.done $0x0  }
0x2e: {  	s30 =	sadd.s32 $0x20, s29;
	[sflag:s14] =	ssyncadd.s32 $0xFFFFC000  }
0x2f: {  	[tilespmem:s17], [sflag:$0x3] =	stream.linear.gather [hbm4b:s30+s4], $0x80, $0x38;
	[tilespmem:$0x1ED00] =	vst v63  }
0x30: {  	s30 =	simm.s32 $0x100  }
0x31: {  	[tilespmem:s20], [sflag:$0x1] =	stream.indirect.gather [hbm4b:s1+s19], $0x80, s30, s19, $0xb8;
	[tilespmem:$0x1ED00] =	vst v63  }
0x32: {  	_ =	swait.ge [sflag:s24], $0x4000  }
0x33: {  	[sflag:s24] =	ssyncset.done $0x0  }
0x34: {  	[sflag:s24] =	ssyncadd.s32 $0xFFFFC000  }
0x35: {  	_ =	swait.ge [sflag:s26], $0x80  }
0x36: {  	[sflag:s26] =	ssyncset.done $0x0  }
0x37: {  	[sflag:s26] =	ssyncadd.s32 $0xFFFFFF80  }
0x38: {  	[spmem:s3] =	stream.indirect.scatter.add.f32 [tilespmem:s21], [sflag:$0x5], $0x80, s18, s19, $0xb8;
	[tilespmem:$0x1ED00] =	vst v63  }
0x39: {  	_ =	swait.ge [sflag:s14], $0x4000  }
0x3a: {  	[sflag:s14] =	ssyncset.done $0x0  }
0x3b: {  	s29 =	sadd.s32 $0x30, s29;
	[sflag:s14] =	ssyncadd.s32 $0xFFFFC000  }
0x3c: {  	[tilespmem:s18], [sflag:$0x4] =	stream.linear.gather [hbm4b:s29+s4], $0x80, $0x38;
	[tilespmem:$0x1ED00] =	vst v63  }
0x3d: {  	s31 =	simm.s32 $0x280;
	s30 =	simm.s32 $0x20;
	s29 =	simm.s32 $0x180  }
.LBB2_2:
0x3e: {  	[tilespmem:s21], [sflag:$0x2] =	stream.indirect.gather [hbm4b:s1+s19], $0x80, s29, s19, $0xb8;
	[tilespmem:$0x1ED00] =	vst v63  }
0x3f: {  	s2 =	smov.u32 s30;
	s29 =	smov.u32 s31  }
0x40: {  	p1 =	sne.s32 s30, $0x4E0;
	s30 =	sadd.s32 $0x20, s30;
	_ =	swait.ge [sflag:s22], $0x4000  }
0x41: {  	[sflag:s22] =	ssyncset.done $0x0  }
0x42: {  	[sflag:s22] =	ssyncadd.s32 $0xFFFFC000  }
0x43: {  	_ =	swait.ge [sflag:s23], $0x80  }
0x44: {  	[sflag:s23] =	ssyncset.done $0x0  }
0x45: {  	[sflag:s23] =	ssyncadd.s32 $0xFFFFFF80  }
0x46: {  	[spmem:s3] =	stream.indirect.scatter.add.f32 [tilespmem:s20], [sflag:$0x5], $0x80, s17, s19, $0xb8;
	[tilespmem:$0x1ED00] =	vst v63  }
0x47: {  	_ =	swait.ge [sflag:s14], $0x4000  }
0x48: {  	s2 =	sadd.s32 s2, s13;
	[sflag:s14] =	ssyncset.done $0x0  }
0x49: {  	s0 =	sadd.s32 $0x20, s2;
	[sflag:s14] =	ssyncadd.s32 $0xFFFFC000  }
0x4a: {  	[tilespmem:s17], [sflag:$0x3] =	stream.linear.gather [hbm4b:s0+s4], $0x80, $0x38;
	[tilespmem:$0x1ED00] =	vst v63  }
0x4b: {  	s0 =	sadd.s32 $0xFFFFFF80, s31  }
0x4c: {  	[tilespmem:s20], [sflag:$0x1] =	stream.indirect.gather [hbm4b:s1+s19], $0x80, s0, s19, $0xb8;
	[tilespmem:$0x1ED00] =	vst v63  }
0x4d: {  	_ =	swait.ge [sflag:s24], $0x4000  }
0x4e: {  	[sflag:s24] =	ssyncset.done $0x0  }
0x4f: {  	[sflag:s24] =	ssyncadd.s32 $0xFFFFC000  }
0x50: {  	_ =	swait.ge [sflag:s26], $0x80  }
0x51: {  	[sflag:s26] =	ssyncset.done $0x0  }
0x52: {  	[sflag:s26] =	ssyncadd.s32 $0xFFFFFF80  }
0x53: {  	[spmem:s3] =	stream.indirect.scatter.add.f32 [tilespmem:s21], [sflag:$0x5], $0x80, s18, s19, $0xb8;
	[tilespmem:$0x1ED00] =	vst v63  }
.Ltmp0:
0x54: {  	_ =	swait.ge [sflag:s14], $0x4000;
	(pc) =	sbr.rel @p1 .LBB2_2-.Ltmp0, $4  }
0x55: {  	[sflag:s14] =	ssyncset.done $0x0  }
0x56: {  	s0 =	sadd.s32 $0x30, s2;
	[sflag:s14] =	ssyncadd.s32 $0xFFFFC000  }
0x57: {  	[tilespmem:s18], [sflag:$0x4] =	stream.linear.gather [hbm4b:s0+s4], $0x80, $0x38;
	[tilespmem:$0x1ED00] =	vst v63  }
0x58: {  	s31 =	sadd.s32 $0x100, s31  }
0x59: {  	[tilespmem:s21], [sflag:$0x2] =	stream.indirect.gather [hbm4b:s1+s19], $0x80, s29, s19, $0xb8;
	[tilespmem:$0x1ED00] =	vst v63  }
0x5a: {  	_ =	swait.ge [sflag:s22], $0x4000  }
0x5b: {  	[sflag:s22] =	ssyncset.done $0x0  }
0x5c: {  	[sflag:s22] =	ssyncadd.s32 $0xFFFFC000  }
0x5d: {  	_ =	swait.ge [sflag:s24], $0x4000  }
0x5e: {  	[sflag:s24] =	ssyncset.done $0x0  }
0x5f: {  	[sflag:s24] =	ssyncadd.s32 $0xFFFFC000  }
0x60: {  	_ =	swait.ge [sflag:s23], $0x80  }
0x61: {  	[sflag:s23] =	ssyncset.done $0x0  }
0x62: {  	[sflag:s23] =	ssyncadd.s32 $0xFFFFFF80  }
0x63: {  	_ =	swait.ge [sflag:s26], $0x80  }
0x64: {  	[sflag:s26] =	ssyncset.done $0x0  }
0x65: {  	[sflag:s26] =	ssyncadd.s32 $0xFFFFFF80  }
0x66: {  	s0 =	simm.s32 @p0 $0x5;
	[bflag:$0x0] =	sbarrier.arrive $0xFFFF  }
0x67: {  	[hbm:s11], [sflag:s15] =	dma.local @p0 [spmem:s25], $0x1900  }
0x68: {  	_ =	swait.ge @p0 [sflag:s0], $0x1900  }
0x69: {  	s28 =	sadd.s32 $0x1, s28;
	[sflag:s0] =	ssyncset.done @p0 $0x0  }
0x6a: {  	p1 =	sne.s32 s28, s12;
	[sflag:s0] =	ssyncadd.s32 @p0 $0xFFFFE700;
	s0 =	sshrl.u32 @!p0 s8, $0x3  }
0x6b: {  	[hbm:s10], [sflag:s15] =	dma.local @!p0 [spmem:s0], $0x2800  }
.Ltmp1:
0x6c: {  	_ = 	snop;
	(pc) =	sbr.rel @p1 .LBB2_1-.Ltmp1, $4  }
0x6d: {  	s0 =	simm.s32 @!p0 $0x5  }
0x6e: {  	_ =	swait.ge @!p0 [sflag:s0], $0x2800  }
0x6f: {  	[sflag:s0] =	ssyncset.done @!p0 $0x0  }
0x70: {  	[sflag:s0] =	ssyncadd.s32 @!p0 $0xFFFFD800  }
0x71: {  	_ =	sfence.sel $0x180000  }
0x72: {  	[bflag:$0x0] =	sbarrier.arrive $0xFFFF  }
0x73: {  	_ =	strace $0x9000004D  }
0x74: {  	s0 =	stileid.u32;
	[bflag:$0x2] =	sbarrier.arrive $0xFFFF  }
0x75: {  	p0 =	sne.s32 s0, $0x0;
	s0 =	rddreg [dreg:$0x3]  }
0x76: {  	s0 =	sadd.s32 @!p0 $0x100000, s0  }
0x77: {  	[sflag:s0] =	ssyncadd.tile.s32 @!p0 $0x1;
	_ =	shalt  }
.Lfunc_end2:
_tile_overlayer_lowered:
.L_overlay_start_2:
0x78: {  	(tag) =	ssettag $0x2  }
0x79: {  	s0 =	rddreg [dreg:$0x0];
	s2 =	stileid.u32  }
0x7a: {  	s1 =	rddreg [dreg:$0x1];
	p0 =	sne.s32 s2, $0x0  }
0x7b: {  	s3 =	rddreg [dreg:$0x2];
	[bflag:$0x3] =	sbarrier.arrive $0xFFFF;
	s2 =	simm.s32 @!p0 $0x1C05  }
0x7c: {  	[timem:s3], [sflag:s2] =	dma.local @!p0 [hbm:s0], s1  }
0x7d: {  	s0 =	simm.s32 @!p0 $0x5  }
0x7e: {  	_ =	swait.ge @!p0 [sflag:s0], s1  }
0x7f: {  	s1 =	ssub.s32 @!p0 $0x0, s1;
	[sflag:s0] =	ssyncset.done @!p0 $0x0  }
0x80: {  	[sflag:s0] =	ssyncadd.s32 @!p0 s1  }
0x81: {  	[bflag:$0x3] =	sbarrier.arrive $0xFFFF  }
0x82: {  	_ =	shalt  }

// kernel: kernel.15.cloned.1.call-start
scs
__scs_entry_jumppad:
0x0: {  	(pc) =	sbr.rel $0x88, $3  }
0x1: {  	(tag) =	ssettag $0x0;
	lr =	simm.s32 $0x1  }
0x2: {  	[smem:$0x3F9C] =	sst lr;
	_ =	strace $0xD0000000  }
0x3: {  	_ = 	snop  }
0x4: {  	_ = 	snop  }
0x5: {  	_ = 	snop  }
0x6: {  	_ = 	snop  }
0x7: {  	_ = 	snop  }
__scs_overlays_trampoline_lowered:
0x8: {  	[smem:$0x3FAB] =	sst s0  }
0x9: {  	[smem:$0x3FAC] =	sst s1  }
0xa: {  	[smem:$0x3FAD] =	sst s2  }
0xb: {  	[smem:$0x3FAE] =	sst s3  }
0xc: {  	[smem:$0x3FAF] =	sst s4  }
0xd: {  	[smem:$0x3FB0] =	sst s5  }
0xe: {  	[smem:$0x3FB1] =	sst s6  }
0xf: {  	[smem:$0x3FB2] =	sst s7  }
0x10: {  	[smem:$0x3FB3] =	sst s8  }
0x11: {  	[smem:$0x3FB4] =	sst s9;
	s0 =	simm.s32 @!p0 $0x0  }
0x12: {  	s1 =	sld [smem:$0x3F9A];
	s0 =	simm.s32 @p0 $0x1  }
0x13: {  	[smem:$0x3FB5] =	sst s0;
	s0 =	simm.s32 @!p1 $0x0  }
0x14: {  	s2 =	sld [smem:$0x3F99];
	s0 =	simm.s32 @p1 $0x1  }
0x15: {  	[smem:$0x3FB6] =	sst s0;
	s0 =	simm.s32 @!p2 $0x0  }
0x16: {  	s3 =	sld [smem:$0x3FDB];
	s0 =	simm.s32 @p2 $0x1  }
0x17: {  	s4 =	simm.s32 $0x1BF5;
	[smem:$0x3FB8] =	sst s0  }
0x18: {  	s0 =	sld [smem:$0x3F9B];
	_ =	swait.ge [sflag:s4], $0x0  }
0x19: {  	s7 =	sld [smem:$0x3F9C]  }
0x1a: {  	s8 =	sadd.s32 $0xFFFFE003, lr  }
0x1b: {  	s9 =	sadd.s32 $0xFFFFFEF7, lr;
	s5 =	simm.s32 $0xFFFFFFFF;
	p2 =	slt.u32 s8, $0xFFFFF086  }
0x1c: {  	p1 =	slt.u32 s9, $0xF7A;
	s5 =	simm.s32 @!p2 $0x0  }
0x1d: {  	s5 =	simm.s32 @p1 $0x1;
	p0 =	seq.s32 s7, s2  }
0x1e: {  	s7 =	smul.u32 @!p0 $0xF7A, s2;
	p2 =	seq.s32 @!p0 s5, $0x0  }
0x1f: {  	s9 =	smul.u32 $0xF7A, s1;
	s8 =	simm.s32 @!p0 $0x1BF5;
	p2 =	por !p2, p0  }
0x20: {  	[sflag:s8] =	ssyncset.s32 @!p0 $0xFFFFF086;
	s6 =	sadd.s32 @!p0 s3, s7;
	s7 =	simm.s32 @!p0 $0x108  }
0x21: {  	s3 =	sadd.s32 s3, s9;
	s6 =	sadd.s32 @!p0 $0x88, s6;
	s7 =	simm.s32 @p2 $0x1082  }
0x22: {  	[simem:s7], [sflag:s8] =	dma.local @!p0 [hbm:s6], $0xF7A  }
0x23: {  	s9 =	sor.u32 $0xD0000000, s2;
	s6 =	simm.s32 $0x108;
	_ =	swait.ge @!p0 [sflag:s8], $0x0  }
0x24: {  	s3 =	sadd.s32 $0x88, s3;
	s6 =	simm.s32 @!p1 $0x1082;
	[sflag:s4] =	ssyncset.s32 $0xFFFFF086  }
0x25: {  	[simem:s6], [sflag:s4] =	dma.local [hbm:s3], $0xF7A  }
0x26: {  	[smem:$0x3F9C] =	sst s1;
	(tag) =	ssettag s2;
	_ =	strace s9  }
0x27: {  	s1 =	sld [smem:$0x3FAC]  }
0x28: {  	s2 =	sld [smem:$0x3FAD]  }
0x29: {  	s4 =	sld [smem:$0x3FAF]  }
0x2a: {  	p0 =	seq.s32 s5, $0x0;
	s5 =	sld [smem:$0x3FB0]  }
0x2b: {  	s6 =	sld [smem:$0x3FB1]  }
0x2c: {  	s7 =	sld [smem:$0x3FB2]  }
0x2d: {  	s3 =	simm.s32 $0x108;
	s8 =	sld [smem:$0x3FB3]  }
0x2e: {  	s3 =	simm.s32 @!p0 $0x1082;
	s9 =	sld [smem:$0x3FB4]  }
0x2f: {  	lr =	sadd.s32 s0, s3;
	s0 =	sld [smem:$0x3FAB]  }
0x30: {  	s3 =	sld [smem:$0x3FAE]  }
0x31: {  	[smem:$0x3FB7] =	sst s10  }
0x32: {  	s10 =	sld [smem:$0x3FB5];
	_ =	sdelay $0x3  }
0x33: {  	p0 =	seq.s32 s10, $0x1;
	s10 =	sld [smem:$0x3FB7];
	_ =	sdelay $0x3  }
0x34: {  	[smem:$0x3FB7] =	sst s10  }
0x35: {  	s10 =	sld [smem:$0x3FB6];
	_ =	sdelay $0x3  }
0x36: {  	p1 =	seq.s32 s10, $0x1;
	s10 =	sld [smem:$0x3FB7];
	_ =	sdelay $0x3  }
0x37: {  	[smem:$0x3FB7] =	sst s10  }
0x38: {  	s10 =	sld [smem:$0x3FB8]  }
0x39: {  	_ = 	snop;
	(pc) =	sbr.ind lr, $3  }
0x3a: {  	_ = 	snop  }
0x3b: {  	_ = 	snop  }
0x3c: {  	p2 =	seq.s32 s10, $0x1;
	s10 =	sld [smem:$0x3FB7]  }
0x3d: {  	_ =	shalt  }
0x3e: {  	_ =	shalt  }
0x3f: {  	_ =	shalt  }
0x40: {  	_ =	shalt  }
0x41: {  	_ =	shalt  }
0x42: {  	_ =	shalt  }
0x43: {  	_ =	shalt  }
0x44: {  	_ =	shalt  }
0x45: {  	_ =	shalt  }
0x46: {  	_ =	shalt  }
0x47: {  	_ =	shalt  }
0x48: {  	_ =	shalt  }
0x49: {  	_ =	shalt  }
0x4a: {  	_ =	shalt  }
0x4b: {  	_ =	shalt  }
0x4c: {  	_ =	shalt  }
0x4d: {  	_ =	shalt  }
0x4e: {  	_ =	shalt  }
0x4f: {  	_ =	shalt  }
0x50: {  	_ =	shalt  }
0x51: {  	_ =	shalt  }
0x52: {  	_ =	shalt  }
0x53: {  	_ =	shalt  }
0x54: {  	_ =	shalt  }
0x55: {  	_ =	shalt  }
0x56: {  	_ =	shalt  }
0x57: {  	_ =	shalt  }
0x58: {  	_ =	shalt  }
0x59: {  	_ =	shalt  }
0x5a: {  	_ =	shalt  }
0x5b: {  	_ =	shalt  }
0x5c: {  	_ =	shalt  }
0x5d: {  	_ =	shalt  }
0x5e: {  	_ =	shalt  }
0x5f: {  	_ =	shalt  }
0x60: {  	_ =	shalt  }
0x61: {  	_ =	shalt  }
0x62: {  	_ =	shalt  }
0x63: {  	_ =	shalt  }
0x64: {  	_ =	shalt  }
0x65: {  	_ =	shalt  }
0x66: {  	_ =	shalt  }
0x67: {  	_ =	shalt  }
0x68: {  	_ =	shalt  }
0x69: {  	_ =	shalt  }
0x6a: {  	_ =	shalt  }
0x6b: {  	_ =	shalt  }
0x6c: {  	_ =	shalt  }
0x6d: {  	_ =	shalt  }
0x6e: {  	_ =	shalt  }
0x6f: {  	_ =	shalt  }
0x70: {  	_ =	shalt  }
0x71: {  	_ =	shalt  }
0x72: {  	_ =	shalt  }
0x73: {  	_ =	shalt  }
0x74: {  	_ =	shalt  }
0x75: {  	_ =	shalt  }
0x76: {  	_ =	shalt  }
0x77: {  	_ =	shalt  }
0x78: {  	_ =	shalt  }
0x79: {  	_ =	shalt  }
0x7a: {  	_ =	shalt  }
0x7b: {  	_ =	shalt  }
0x7c: {  	_ =	shalt  }
0x7d: {  	_ =	shalt  }
0x7e: {  	_ =	shalt  }
0x7f: {  	_ =	shalt  }
0x80: {  	_ =	shalt  }
0x81: {  	_ =	shalt  }
0x82: {  	_ =	shalt  }
0x83: {  	_ =	shalt  }
0x84: {  	_ =	shalt  }
0x85: {  	_ =	shalt  }
0x86: {  	_ =	shalt  }
0x87: {  	_ =	shalt  }
.Lfunc_end0:
.L_simem_size_0:
called_computation.3_lowered:
.L_overlay_start_0:
0x88: {  	s2 =	sld [smem:$0x3FD9]  }
0x89: {  	s3 =	sld [smem:$0x3FFE];
	_ =	sdelay $0x1  }
0x8a: {  	s1 =	srdreg.scid  }
0x8b: {  	s0 =	sand.u32 $0x1, s1  }
0x8c: {  	s17 =	sshll.u32 s0, $0xA;
	s2 =	sadd.s32 s3, s2  }
0x8d: {  	s2 =	sadd.s32 s2, s17  }
0x8e: {  	[smem:$0x3FC3] =	sst s2  }
0x8f: {  	_ = 	snop  }
0x90: {  	s2 =	sld [smem:$0x3FD0];
	(tm) =	ssettm $0x1  }
0x91: {  	s18 =	sld [smem:$0x3FFB];
	_ =	sdelay $0x3  }
0x92: {  	_ =	strace s18  }
0x93: {  	s3 =	sld [smem:$0x3FFC];
	_ =	sdelay $0x3  }
0x94: {  	_ =	strace s3  }
0x95: {  	s3 =	sld [smem:$0x3FFD];
	_ =	sdelay $0x3  }
0x96: {  	_ =	strace s3  }
0x97: {  	_ =	strace $0x8FFFFFFF  }
0x98: {  	s19 =	sld [smem:$0x3FDB];
	_ =	sdelay $0x1  }
0x99: {  	s4 =	simm.s32 $_scs_section_size  }
0x9a: {  	s5 =	simm.s32 $_size__tile_overlayer_lowered;
	s6 =	simm.s32 $_tile_overlayer_lowered  }
0x9b: {  	s22 =	simm.s32 $0x1BFF;
	s21 =	sshll.u32 s6, $0x1;
	s3 =	sadd.s32 s4, s19  }
0x9c: {  	s7 =	simm.s32 $0x0;
	s20 =	sshll.u32 s5, $0x1;
	s5 =	sadd.s32 s21, s3  }
0x9d: {  	[timem:s7], [sflag:s22] =	dma.local [hbm:s5], s20  }
0x9e: {  	_ =	swait.ge [sflag:s22], s20  }
0x9f: {  	s4 =	ssub.s32 $0x0, s20;
	[sflag:s22] =	ssyncset.done $0x0  }
0xa0: {  	[sflag:s22] =	ssyncadd.s32 s4;
	_ =	sdelay $0x1  }
0xa1: {  	s23 =	simm.s32 $0x1B8B  }
0xa2: {  	_ =	swait.ge [sflag:s23], $0x1  }
0xa3: {  	[sflag:s23] =	ssyncset.done $0x0  }
0xa4: {  	s25 =	simm.s32 $0x1B8E;
	s24 =	sld [smem:$0x3FFE];
	[sflag:s23] =	ssyncadd.s32 $0xFFFFFFFF  }
0xa5: {  	s26 =	simm.s32 $execute0_lowered;
	[smem:$0x3FD2] =	sst s25  }
0xa6: {  	s5 =	sshll.u32 s26, $0x1;
	_ =	strace $0x8000004F;
	[dreg:$0x1] =	wrdreg $0xFFFFFFFF  }
0xa7: {  	s28 =	simm.s32 $_size_execute0_lowered;
	s3 =	sadd.s32 s3, s5;
	[dreg:$0x0] =	wrdreg $0x0  }
0xa8: {  	s5 =	sshll.u32 s28, $0x1;
	[dreg:$0x2] =	wrdreg s3  }
0xa9: {  	[dreg:$0x3] =	wrdreg s5  }
0xaa: {  	[dreg:$0x4] =	wrdreg $0xC0  }
0xab: {  	_ =	task [dreg:s7], $0x5FFFF  }
0xac: {  	[dreg:$0x1] =	wrdreg $0xFFFFFFFF  }
0xad: {  	[dreg:$0x0] =	wrdreg $0x60  }
0xae: {  	[dreg:$0x2] =	wrdreg s2  }
0xaf: {  	[dreg:$0x3] =	wrdreg s24  }
0xb0: {  	[dreg:$0x4] =	wrdreg $0xAD000  }
0xb1: {  	[dreg:$0x5] =	wrdreg $0x9  }
0xb2: {  	_ =	task.clear_ibuf [dreg:s7], $0x6FFFF;
	_ =	strace $0x9000004F  }
0xb3: {  	s29 =	simm.s32 $0x9;
	_ =	strace $0x80000051  }
0xb4: {  	_ =	swait.ge [sflag:s29], $0x1  }
0xb5: {  	[sflag:s29] =	ssyncadd.s32 $0xFFFFFFFF  }
0xb6: {  	_ =	strace $0x90000051  }
0xb7: {  	_ =	sfence  }
0xb8: {  	s30 =	sld [smem:$0x0];
	_ =	sdelay $0x2  }
0xb9: {  	s31 =	sshll.u32 s1, $0xD;
	s1 =	sshrl.u32 s1, $0x2  }
0xba: {  	s3 =	sand.u32 $0x4000, s31;
	s1 =	sadd.s32 s1, s30  }
0xbb: {  	s0 =	sor.u32 s3, s0;
	s1 =	sshll.u32 s1, $0x11  }
0xbc: {  	s0 =	sor.u32 s1, s0  }
0xbd: {  	s0 =	sadd.s32 $0x8F2B, s0  }
0xbe: {  	[sflag:s0] =	ssyncadd.remote.s32 $0x1  }
0xbf: {  	_ =	sfence.sel $0xFFFF  }
0xc0: {  	[dreg:$0x0] =	wrdreg $0xFFFFFFFF;
	(pc) =	sbr.abs _section_cstart, $3  }
0xc1: {  	[dreg:$0x1] =	wrdreg $0xFFFFFFFF  }
0xc2: {  	_ =	task.clear_ibuf [dreg:s7], $0x2FFFF;
	_ =	strace $0x9FFFFFFF  }
0xc3: {  	(tm) =	ssettm $0x7FFFFFFF  }
tec
execute0_lowered:
.L_overlay_start_1:
0x0: {  	(tag) =	ssettag $0x1  }
0x1: {  	s1 =	rddreg [dreg:$0x0]  }
0x2: {  	s6 =	rddreg [dreg:$0x1]  }
0x3: {  	s0 =	srdreg.scid;
	s3 =	rddreg [dreg:$0x2];
	s4 =	simm.s32 $0x0  }
0x4: {  	s17 =	simm.s32 $0x2C00;
	s18 =	simm.s32 $0x2C80;
	s19 =	simm.s32 $0x80  }
0x5: {  	s20 =	simm.s32 $0x2D00;
	s10 =	sand.u32 $0x1, s0;
	s0 =	stileid.u32  }
0x6: {  	s21 =	simm.s32 $0x6D00;
	s22 =	simm.s32 $0x1;
	s8 =	smul.u32 $0x50000, s0  }
0x7: {  	s28 =	simm.s32 $0x0;
	[smem:$0x7FF] =	sst s4;
	s14 =	smul.u32 $0x138800, s10  }
0x8: {  	s12 =	sadd.s32 $0xC600, s6;
	s15 =	sadd.s32 $0x2BC00, s6;
	s16 =	smul.u32 $0x14000, s0  }
0x9: {  	s25 =	sadd.s32 $0x12C000, s3;
	s2 =	sshll.u32 s10, $0x4;
	s24 =	smul.u32 $0x5000, s10  }
0xa: {  	_ =	strace $0x80000050;
	s9 =	ssub.s32 $0x2, s10;
	s29 =	smul.u32 $0x500, s0  }
0xb: {  	s31 =	sshll.u32 s0, $0x6;
	p0 =	seq.s32 s0, $0xF;
	s5 =	sor.u32 s0, s2  }
0xc: {  	s13 =	sshrl.u32 s9, $0x1;
	s25 =	sshrl.u32 @p0 s25, $0x3;
	s7 =	smul.u32 $0x580, s5  }
0xd: {  	s11 =	smul.u32 $0x500, s5;
	s5 =	sadd.s32 $0x2200, s6;
	s13 =	ssub.s32 s9, s13  }
0xe: {  	s8 =	sshrl.u32 s8, $0x2;
	s23 =	sadd.s32 s16, s14;
	s14 =	sshrl.u32 s14, $0x3  }
0xf: {  	s30 =	sadd.s32 s24, s12;
	s24 =	simm.s32 $0x2;
	s8 =	sadd.s32 s8, s3  }
0x10: {  	s26 =	sadd.s32 s15, s14;
	s14 =	simm.s32 $0x5;
	s7 =	sadd.s32 s7, s6  }
0x11: {  	s16 =	sshrl.u32 s8, $0x3;
	s6 =	sadd.s32 $0x20C00, s7;
	s7 =	sadd.s32 s12, s11  }
0x12: {  	s11 =	sshrl.u32 s23, $0x3;
	s12 =	smax.u32 s13, $0x1;
	s13 =	sadd.s32 s29, s30  }
0x13: {  	s23 =	simm.s32 $0x3;
	s9 =	sadd.s32 $0x10, s7;
	s10 =	sadd.s32 s15, s11  }
0x14: {  	s11 =	sadd.s32 $0x25800, s26;
	s15 =	sor.u32 $0x1C05, s31;
	s26 =	simm.s32 $0x4  }
.LBB2_1:
0x15: {  	[tilespmem:s4], [sflag:$0x5] =	stream.linear.gather [hbm4b:s6+s4], $0x2900, $0x38;
	[tilespmem:$0x1ED00] =	vst v63  }
0x16: {  	_ =	swait.ge [sflag:s14], $0x2900  }
0x17: {  	[sflag:s14] =	ssyncset.done $0x0  }
0x18: {  	[sflag:s14] =	ssyncadd.s32 $0xFFFFD700  }
0x19: {  	[spmem:s16], [sflag:s15] =	dma.local [hbm:s5], $0x2800  }
0x1a: {  	_ =	swait.ge [sflag:s14], $0x2800  }
0x1b: {  	[sflag:s14] =	ssyncset.done $0x0  }
0x1c: {  	[sflag:s14] =	ssyncadd.s32 $0xFFFFD800  }
0x1d: {  	[bflag:$0x0] =	sbarrier.arrive $0xFFFF  }
0x1e: {  	[tilespmem:s17], [sflag:$0x3] =	stream.linear.gather [hbm4b:s7+s4], $0x80, $0x38;
	[tilespmem:$0x1ED00] =	vst v63  }
0x1f: {  	_ = 	snop  }
0x20: {  	[tilespmem:s18], [sflag:$0x4] =	stream.linear.gather [hbm4b:s9+s4], $0x80, $0x38;
	[tilespmem:$0x1ED00] =	vst v63  }
0x21: {  	_ = 	snop  }
0x22: {  	[tilespmem:s20], [sflag:$0x1] =	stream.indirect.gather [hbm4b:s1+s19], $0x80, s4, s19, $0xb8;
	[tilespmem:$0x1ED00] =	vst v63  }
0x23: {  	_ = 	snop  }
0x24: {  	[tilespmem:s21], [sflag:$0x2] =	stream.indirect.gather [hbm4b:s1+s19], $0x80, s19, s19, $0xb8;
	[tilespmem:$0x1ED00] =	vst v63  }
0x25: {  	_ =	swait.ge [sflag:s22], $0x4000  }
0x26: {  	[sflag:s22] =	ssyncset.done $0x0  }
0x27: {  	[sflag:s22] =	ssyncadd.s32 $0xFFFFC000  }
0x28: {  	_ =	swait.ge [sflag:s23], $0x80  }
0x29: {  	[sflag:s23] =	ssyncset.done $0x0  }
0x2a: {  	[sflag:s23] =	ssyncadd.s32 $0xFFFFFF80  }
0x2b: {  	[spmem:s3] =	stream.indirect.scatter.add.f32 [tilespmem:s20], [sflag:$0x5], $0x80, s17, s19, $0xb8;
	[tilespmem:$0x1ED00] =	vst v63  }
0x2c: {  	_ =	swait.ge [sflag:s14], $0x4000  }
0x2d: {  	s29 =	sadd.s32 $0x0, s13;
	[sflag:s14] =	ssyncset.done $0x0  }
0x2e: {  	s30 =	sadd.s32 $0x20, s29;
	[sflag:s14] =	ssyncadd.s32 $0xFFFFC000  }
0x2f: {  	[tilespmem:s17], [sflag:$0x3] =	stream.linear.gather [hbm4b:s30+s4], $0x80, $0x38;
	[tilespmem:$0x1ED00] =	vst v63  }
0x30: {  	s30 =	simm.s32 $0x100  }
0x31: {  	[tilespmem:s20], [sflag:$0x1] =	stream.indirect.gather [hbm4b:s1+s19], $0x80, s30, s19, $0xb8;
	[tilespmem:$0x1ED00] =	vst v63  }
0x32: {  	_ =	swait.ge [sflag:s24], $0x4000  }
0x33: {  	[sflag:s24] =	ssyncset.done $0x0  }
0x34: {  	[sflag:s24] =	ssyncadd.s32 $0xFFFFC000  }
0x35: {  	_ =	swait.ge [sflag:s26], $0x80  }
0x36: {  	[sflag:s26] =	ssyncset.done $0x0  }
0x37: {  	[sflag:s26] =	ssyncadd.s32 $0xFFFFFF80  }
0x38: {  	[spmem:s3] =	stream.indirect.scatter.add.f32 [tilespmem:s21], [sflag:$0x5], $0x80, s18, s19, $0xb8;
	[tilespmem:$0x1ED00] =	vst v63  }
0x39: {  	_ =	swait.ge [sflag:s14], $0x4000  }
0x3a: {  	[sflag:s14] =	ssyncset.done $0x0  }
0x3b: {  	s29 =	sadd.s32 $0x30, s29;
	[sflag:s14] =	ssyncadd.s32 $0xFFFFC000  }
0x3c: {  	[tilespmem:s18], [sflag:$0x4] =	stream.linear.gather [hbm4b:s29+s4], $0x80, $0x38;
	[tilespmem:$0x1ED00] =	vst v63  }
0x3d: {  	s31 =	simm.s32 $0x280;
	s30 =	simm.s32 $0x20;
	s29 =	simm.s32 $0x180  }
.LBB2_2:
0x3e: {  	[tilespmem:s21], [sflag:$0x2] =	stream.indirect.gather [hbm4b:s1+s19], $0x80, s29, s19, $0xb8;
	[tilespmem:$0x1ED00] =	vst v63  }
0x3f: {  	s2 =	smov.u32 s30;
	s29 =	smov.u32 s31  }
0x40: {  	p1 =	sne.s32 s30, $0x4E0;
	s30 =	sadd.s32 $0x20, s30;
	_ =	swait.ge [sflag:s22], $0x4000  }
0x41: {  	[sflag:s22] =	ssyncset.done $0x0  }
0x42: {  	[sflag:s22] =	ssyncadd.s32 $0xFFFFC000  }
0x43: {  	_ =	swait.ge [sflag:s23], $0x80  }
0x44: {  	[sflag:s23] =	ssyncset.done $0x0  }
0x45: {  	[sflag:s23] =	ssyncadd.s32 $0xFFFFFF80  }
0x46: {  	[spmem:s3] =	stream.indirect.scatter.add.f32 [tilespmem:s20], [sflag:$0x5], $0x80, s17, s19, $0xb8;
	[tilespmem:$0x1ED00] =	vst v63  }
0x47: {  	_ =	swait.ge [sflag:s14], $0x4000  }
0x48: {  	s2 =	sadd.s32 s2, s13;
	[sflag:s14] =	ssyncset.done $0x0  }
0x49: {  	s0 =	sadd.s32 $0x20, s2;
	[sflag:s14] =	ssyncadd.s32 $0xFFFFC000  }
0x4a: {  	[tilespmem:s17], [sflag:$0x3] =	stream.linear.gather [hbm4b:s0+s4], $0x80, $0x38;
	[tilespmem:$0x1ED00] =	vst v63  }
0x4b: {  	s0 =	sadd.s32 $0xFFFFFF80, s31  }
0x4c: {  	[tilespmem:s20], [sflag:$0x1] =	stream.indirect.gather [hbm4b:s1+s19], $0x80, s0, s19, $0xb8;
	[tilespmem:$0x1ED00] =	vst v63  }
0x4d: {  	_ =	swait.ge [sflag:s24], $0x4000  }
0x4e: {  	[sflag:s24] =	ssyncset.done $0x0  }
0x4f: {  	[sflag:s24] =	ssyncadd.s32 $0xFFFFC000  }
0x50: {  	_ =	swait.ge [sflag:s26], $0x80  }
0x51: {  	[sflag:s26] =	ssyncset.done $0x0  }
0x52: {  	[sflag:s26] =	ssyncadd.s32 $0xFFFFFF80  }
0x53: {  	[spmem:s3] =	stream.indirect.scatter.add.f32 [tilespmem:s21], [sflag:$0x5], $0x80, s18, s19, $0xb8;
	[tilespmem:$0x1ED00] =	vst v63  }
.Ltmp0:
0x54: {  	_ =	swait.ge [sflag:s14], $0x4000;
	(pc) =	sbr.rel @p1 .LBB2_2-.Ltmp0, $4  }
0x55: {  	[sflag:s14] =	ssyncset.done $0x0  }
0x56: {  	s0 =	sadd.s32 $0x30, s2;
	[sflag:s14] =	ssyncadd.s32 $0xFFFFC000  }
0x57: {  	[tilespmem:s18], [sflag:$0x4] =	stream.linear.gather [hbm4b:s0+s4], $0x80, $0x38;
	[tilespmem:$0x1ED00] =	vst v63  }
0x58: {  	s31 =	sadd.s32 $0x100, s31  }
0x59: {  	[tilespmem:s21], [sflag:$0x2] =	stream.indirect.gather [hbm4b:s1+s19], $0x80, s29, s19, $0xb8;
	[tilespmem:$0x1ED00] =	vst v63  }
0x5a: {  	_ =	swait.ge [sflag:s22], $0x4000  }
0x5b: {  	[sflag:s22] =	ssyncset.done $0x0  }
0x5c: {  	[sflag:s22] =	ssyncadd.s32 $0xFFFFC000  }
0x5d: {  	_ =	swait.ge [sflag:s24], $0x4000  }
0x5e: {  	[sflag:s24] =	ssyncset.done $0x0  }
0x5f: {  	[sflag:s24] =	ssyncadd.s32 $0xFFFFC000  }
0x60: {  	_ =	swait.ge [sflag:s23], $0x80  }
0x61: {  	[sflag:s23] =	ssyncset.done $0x0  }
0x62: {  	[sflag:s23] =	ssyncadd.s32 $0xFFFFFF80  }
0x63: {  	_ =	swait.ge [sflag:s26], $0x80  }
0x64: {  	[sflag:s26] =	ssyncset.done $0x0  }
0x65: {  	[sflag:s26] =	ssyncadd.s32 $0xFFFFFF80  }
0x66: {  	s0 =	simm.s32 @p0 $0x5;
	[bflag:$0x0] =	sbarrier.arrive $0xFFFF  }
0x67: {  	[hbm:s11], [sflag:s15] =	dma.local @p0 [spmem:s25], $0x1900  }
0x68: {  	_ =	swait.ge @p0 [sflag:s0], $0x1900  }
0x69: {  	s28 =	sadd.s32 $0x1, s28;
	[sflag:s0] =	ssyncset.done @p0 $0x0  }
0x6a: {  	p1 =	sne.s32 s28, s12;
	[sflag:s0] =	ssyncadd.s32 @p0 $0xFFFFE700;
	s0 =	sshrl.u32 @!p0 s8, $0x3  }
0x6b: {  	[hbm:s10], [sflag:s15] =	dma.local @!p0 [spmem:s0], $0x2800  }
.Ltmp1:
0x6c: {  	_ = 	snop;
	(pc) =	sbr.rel @p1 .LBB2_1-.Ltmp1, $4  }
0x6d: {  	s0 =	simm.s32 @!p0 $0x5  }
0x6e: {  	_ =	swait.ge @!p0 [sflag:s0], $0x2800  }
0x6f: {  	[sflag:s0] =	ssyncset.done @!p0 $0x0  }
0x70: {  	[sflag:s0] =	ssyncadd.s32 @!p0 $0xFFFFD800  }
0x71: {  	_ =	sfence.sel $0x180000  }
0x72: {  	[bflag:$0x0] =	sbarrier.arrive $0xFFFF  }
0x73: {  	_ =	strace $0x90000050  }
0x74: {  	s0 =	stileid.u32;
	[bflag:$0x2] =	sbarrier.arrive $0xFFFF  }
0x75: {  	p0 =	sne.s32 s0, $0x0;
	s0 =	rddreg [dreg:$0x3]  }
0x76: {  	s0 =	sadd.s32 @!p0 $0x100000, s0  }
0x77: {  	[sflag:s0] =	ssyncadd.tile.s32 @!p0 $0x1;
	_ =	shalt  }
.Lfunc_end2:
_tile_overlayer_lowered:
.L_overlay_start_2:
0x78: {  	(tag) =	ssettag $0x2  }
0x79: {  	s0 =	rddreg [dreg:$0x0];
	s2 =	stileid.u32  }
0x7a: {  	s1 =	rddreg [dreg:$0x1];
	p0 =	sne.s32 s2, $0x0  }
0x7b: {  	s3 =	rddreg [dreg:$0x2];
	[bflag:$0x3] =	sbarrier.arrive $0xFFFF;
	s2 =	simm.s32 @!p0 $0x1C05  }
0x7c: {  	[timem:s3], [sflag:s2] =	dma.local @!p0 [hbm:s0], s1  }
0x7d: {  	s0 =	simm.s32 @!p0 $0x5  }
0x7e: {  	_ =	swait.ge @!p0 [sflag:s0], s1  }
0x7f: {  	s1 =	ssub.s32 @!p0 $0x0, s1;
	[sflag:s0] =	ssyncset.done @!p0 $0x0  }
0x80: {  	[sflag:s0] =	ssyncadd.s32 @!p0 s1  }
0x81: {  	[bflag:$0x3] =	sbarrier.arrive $0xFFFF  }
0x82: {  	_ =	shalt  }

// kernel: kernel.9.cloned.1.call-start
scs
__scs_entry_jumppad:
0x0: {  	(pc) =	sbr.rel $0x88, $3  }
0x1: {  	(tag) =	ssettag $0x0;
	lr =	simm.s32 $0x1  }
0x2: {  	[smem:$0x3F9C] =	sst lr;
	_ =	strace $0xD0000000  }
0x3: {  	_ = 	snop  }
0x4: {  	_ = 	snop  }
0x5: {  	_ = 	snop  }
0x6: {  	_ = 	snop  }
0x7: {  	_ = 	snop  }
__scs_overlays_trampoline_lowered:
0x8: {  	[smem:$0x3FAB] =	sst s0  }
0x9: {  	[smem:$0x3FAC] =	sst s1  }
0xa: {  	[smem:$0x3FAD] =	sst s2  }
0xb: {  	[smem:$0x3FAE] =	sst s3  }
0xc: {  	[smem:$0x3FAF] =	sst s4  }
0xd: {  	[smem:$0x3FB0] =	sst s5  }
0xe: {  	[smem:$0x3FB1] =	sst s6  }
0xf: {  	[smem:$0x3FB2] =	sst s7  }
0x10: {  	[smem:$0x3FB3] =	sst s8  }
0x11: {  	[smem:$0x3FB4] =	sst s9;
	s0 =	simm.s32 @!p0 $0x0  }
0x12: {  	s1 =	sld [smem:$0x3F9A];
	s0 =	simm.s32 @p0 $0x1  }
0x13: {  	[smem:$0x3FB5] =	sst s0;
	s0 =	simm.s32 @!p1 $0x0  }
0x14: {  	s2 =	sld [smem:$0x3F99];
	s0 =	simm.s32 @p1 $0x1  }
0x15: {  	[smem:$0x3FB6] =	sst s0;
	s0 =	simm.s32 @!p2 $0x0  }
0x16: {  	s3 =	sld [smem:$0x3FDB];
	s0 =	simm.s32 @p2 $0x1  }
0x17: {  	s4 =	simm.s32 $0x1BF5;
	[smem:$0x3FB8] =	sst s0  }
0x18: {  	s0 =	sld [smem:$0x3F9B];
	_ =	swait.ge [sflag:s4], $0x0  }
0x19: {  	s7 =	sld [smem:$0x3F9C]  }
0x1a: {  	s8 =	sadd.s32 $0xFFFFE003, lr  }
0x1b: {  	s9 =	sadd.s32 $0xFFFFFEF7, lr;
	s5 =	simm.s32 $0xFFFFFFFF;
	p2 =	slt.u32 s8, $0xFFFFF086  }
0x1c: {  	p1 =	slt.u32 s9, $0xF7A;
	s5 =	simm.s32 @!p2 $0x0  }
0x1d: {  	s5 =	simm.s32 @p1 $0x1;
	p0 =	seq.s32 s7, s2  }
0x1e: {  	s7 =	smul.u32 @!p0 $0xF7A, s2;
	p2 =	seq.s32 @!p0 s5, $0x0  }
0x1f: {  	s9 =	smul.u32 $0xF7A, s1;
	s8 =	simm.s32 @!p0 $0x1BF5;
	p2 =	por !p2, p0  }
0x20: {  	[sflag:s8] =	ssyncset.s32 @!p0 $0xFFFFF086;
	s6 =	sadd.s32 @!p0 s3, s7;
	s7 =	simm.s32 @!p0 $0x108  }
0x21: {  	s3 =	sadd.s32 s3, s9;
	s6 =	sadd.s32 @!p0 $0x88, s6;
	s7 =	simm.s32 @p2 $0x1082  }
0x22: {  	[simem:s7], [sflag:s8] =	dma.local @!p0 [hbm:s6], $0xF7A  }
0x23: {  	s9 =	sor.u32 $0xD0000000, s2;
	s6 =	simm.s32 $0x108;
	_ =	swait.ge @!p0 [sflag:s8], $0x0  }
0x24: {  	s3 =	sadd.s32 $0x88, s3;
	s6 =	simm.s32 @!p1 $0x1082;
	[sflag:s4] =	ssyncset.s32 $0xFFFFF086  }
0x25: {  	[simem:s6], [sflag:s4] =	dma.local [hbm:s3], $0xF7A  }
0x26: {  	[smem:$0x3F9C] =	sst s1;
	(tag) =	ssettag s2;
	_ =	strace s9  }
0x27: {  	s1 =	sld [smem:$0x3FAC]  }
0x28: {  	s2 =	sld [smem:$0x3FAD]  }
0x29: {  	s4 =	sld [smem:$0x3FAF]  }
0x2a: {  	p0 =	seq.s32 s5, $0x0;
	s5 =	sld [smem:$0x3FB0]  }
0x2b: {  	s6 =	sld [smem:$0x3FB1]  }
0x2c: {  	s7 =	sld [smem:$0x3FB2]  }
0x2d: {  	s3 =	simm.s32 $0x108;
	s8 =	sld [smem:$0x3FB3]  }
0x2e: {  	s3 =	simm.s32 @!p0 $0x1082;
	s9 =	sld [smem:$0x3FB4]  }
0x2f: {  	lr =	sadd.s32 s0, s3;
	s0 =	sld [smem:$0x3FAB]  }
0x30: {  	s3 =	sld [smem:$0x3FAE]  }
0x31: {  	[smem:$0x3FB7] =	sst s10  }
0x32: {  	s10 =	sld [smem:$0x3FB5];
	_ =	sdelay $0x3  }
0x33: {  	p0 =	seq.s32 s10, $0x1;
	s10 =	sld [smem:$0x3FB7];
	_ =	sdelay $0x3  }
0x34: {  	[smem:$0x3FB7] =	sst s10  }
0x35: {  	s10 =	sld [smem:$0x3FB6];
	_ =	sdelay $0x3  }
0x36: {  	p1 =	seq.s32 s10, $0x1;
	s10 =	sld [smem:$0x3FB7];
	_ =	sdelay $0x3  }
0x37: {  	[smem:$0x3FB7] =	sst s10  }
0x38: {  	s10 =	sld [smem:$0x3FB8]  }
0x39: {  	_ = 	snop;
	(pc) =	sbr.ind lr, $3  }
0x3a: {  	_ = 	snop  }
0x3b: {  	_ = 	snop  }
0x3c: {  	p2 =	seq.s32 s10, $0x1;
	s10 =	sld [smem:$0x3FB7]  }
0x3d: {  	_ =	shalt  }
0x3e: {  	_ =	shalt  }
0x3f: {  	_ =	shalt  }
0x40: {  	_ =	shalt  }
0x41: {  	_ =	shalt  }
0x42: {  	_ =	shalt  }
0x43: {  	_ =	shalt  }
0x44: {  	_ =	shalt  }
0x45: {  	_ =	shalt  }
0x46: {  	_ =	shalt  }
0x47: {  	_ =	shalt  }
0x48: {  	_ =	shalt  }
0x49: {  	_ =	shalt  }
0x4a: {  	_ =	shalt  }
0x4b: {  	_ =	shalt  }
0x4c: {  	_ =	shalt  }
0x4d: {  	_ =	shalt  }
0x4e: {  	_ =	shalt  }
0x4f: {  	_ =	shalt  }
0x50: {  	_ =	shalt  }
0x51: {  	_ =	shalt  }
0x52: {  	_ =	shalt  }
0x53: {  	_ =	shalt  }
0x54: {  	_ =	shalt  }
0x55: {  	_ =	shalt  }
0x56: {  	_ =	shalt  }
0x57: {  	_ =	shalt  }
0x58: {  	_ =	shalt  }
0x59: {  	_ =	shalt  }
0x5a: {  	_ =	shalt  }
0x5b: {  	_ =	shalt  }
0x5c: {  	_ =	shalt  }
0x5d: {  	_ =	shalt  }
0x5e: {  	_ =	shalt  }
0x5f: {  	_ =	shalt  }
0x60: {  	_ =	shalt  }
0x61: {  	_ =	shalt  }
0x62: {  	_ =	shalt  }
0x63: {  	_ =	shalt  }
0x64: {  	_ =	shalt  }
0x65: {  	_ =	shalt  }
0x66: {  	_ =	shalt  }
0x67: {  	_ =	shalt  }
0x68: {  	_ =	shalt  }
0x69: {  	_ =	shalt  }
0x6a: {  	_ =	shalt  }
0x6b: {  	_ =	shalt  }
0x6c: {  	_ =	shalt  }
0x6d: {  	_ =	shalt  }
0x6e: {  	_ =	shalt  }
0x6f: {  	_ =	shalt  }
0x70: {  	_ =	shalt  }
0x71: {  	_ =	shalt  }
0x72: {  	_ =	shalt  }
0x73: {  	_ =	shalt  }
0x74: {  	_ =	shalt  }
0x75: {  	_ =	shalt  }
0x76: {  	_ =	shalt  }
0x77: {  	_ =	shalt  }
0x78: {  	_ =	shalt  }
0x79: {  	_ =	shalt  }
0x7a: {  	_ =	shalt  }
0x7b: {  	_ =	shalt  }
0x7c: {  	_ =	shalt  }
0x7d: {  	_ =	shalt  }
0x7e: {  	_ =	shalt  }
0x7f: {  	_ =	shalt  }
0x80: {  	_ =	shalt  }
0x81: {  	_ =	shalt  }
0x82: {  	_ =	shalt  }
0x83: {  	_ =	shalt  }
0x84: {  	_ =	shalt  }
0x85: {  	_ =	shalt  }
0x86: {  	_ =	shalt  }
0x87: {  	_ =	shalt  }
.Lfunc_end0:
.L_simem_size_0:
called_computation.1_lowered:
.L_overlay_start_0:
0x88: {  	s2 =	sld [smem:$0x3FD9]  }
0x89: {  	s3 =	sld [smem:$0x3FFE];
	_ =	sdelay $0x1  }
0x8a: {  	s1 =	srdreg.scid  }
0x8b: {  	s0 =	sand.u32 $0x1, s1  }
0x8c: {  	s17 =	sshll.u32 s0, $0xA;
	s2 =	sadd.s32 s3, s2  }
0x8d: {  	s2 =	sadd.s32 s2, s17  }
0x8e: {  	[smem:$0x3FC3] =	sst s2  }
0x8f: {  	_ = 	snop  }
0x90: {  	s2 =	sld [smem:$0x3FD0];
	(tm) =	ssettm $0x1  }
0x91: {  	s18 =	sld [smem:$0x3FFB];
	_ =	sdelay $0x3  }
0x92: {  	_ =	strace s18  }
0x93: {  	s3 =	sld [smem:$0x3FFC];
	_ =	sdelay $0x3  }
0x94: {  	_ =	strace s3  }
0x95: {  	s3 =	sld [smem:$0x3FFD];
	_ =	sdelay $0x3  }
0x96: {  	_ =	strace s3  }
0x97: {  	_ =	strace $0x8FFFFFFF  }
0x98: {  	s19 =	sld [smem:$0x3FDB];
	_ =	sdelay $0x1  }
0x99: {  	s4 =	simm.s32 $_scs_section_size  }
0x9a: {  	s5 =	simm.s32 $_size__tile_overlayer_lowered;
	s6 =	simm.s32 $_tile_overlayer_lowered  }
0x9b: {  	s22 =	simm.s32 $0x1BFF;
	s21 =	sshll.u32 s6, $0x1;
	s3 =	sadd.s32 s4, s19  }
0x9c: {  	s7 =	simm.s32 $0x0;
	s20 =	sshll.u32 s5, $0x1;
	s5 =	sadd.s32 s21, s3  }
0x9d: {  	[timem:s7], [sflag:s22] =	dma.local [hbm:s5], s20  }
0x9e: {  	_ =	swait.ge [sflag:s22], s20  }
0x9f: {  	s4 =	ssub.s32 $0x0, s20;
	[sflag:s22] =	ssyncset.done $0x0  }
0xa0: {  	[sflag:s22] =	ssyncadd.s32 s4;
	_ =	sdelay $0x1  }
0xa1: {  	s23 =	simm.s32 $0x1B8B  }
0xa2: {  	_ =	swait.ge [sflag:s23], $0x1  }
0xa3: {  	[sflag:s23] =	ssyncset.done $0x0  }
0xa4: {  	s25 =	simm.s32 $0x1B8E;
	s24 =	sld [smem:$0x3FFE];
	[sflag:s23] =	ssyncadd.s32 $0xFFFFFFFF  }
0xa5: {  	s26 =	simm.s32 $execute0_lowered;
	[smem:$0x3FD2] =	sst s25  }
0xa6: {  	s5 =	sshll.u32 s26, $0x1;
	_ =	strace $0x80000049;
	[dreg:$0x1] =	wrdreg $0xFFFFFFFF  }
0xa7: {  	s28 =	simm.s32 $_size_execute0_lowered;
	s3 =	sadd.s32 s3, s5;
	[dreg:$0x0] =	wrdreg $0x0  }
0xa8: {  	s5 =	sshll.u32 s28, $0x1;
	[dreg:$0x2] =	wrdreg s3  }
0xa9: {  	[dreg:$0x3] =	wrdreg s5  }
0xaa: {  	[dreg:$0x4] =	wrdreg $0xC0  }
0xab: {  	_ =	task [dreg:s7], $0x5FFFF  }
0xac: {  	[dreg:$0x1] =	wrdreg $0xFFFFFFFF  }
0xad: {  	[dreg:$0x0] =	wrdreg $0x60  }
0xae: {  	[dreg:$0x2] =	wrdreg s2  }
0xaf: {  	[dreg:$0x3] =	wrdreg s24  }
0xb0: {  	[dreg:$0x4] =	wrdreg $0xAD000  }
0xb1: {  	[dreg:$0x5] =	wrdreg $0x9  }
0xb2: {  	_ =	task.clear_ibuf [dreg:s7], $0x6FFFF;
	_ =	strace $0x90000049  }
0xb3: {  	s29 =	simm.s32 $0x9;
	_ =	strace $0x8000004B  }
0xb4: {  	_ =	swait.ge [sflag:s29], $0x1  }
0xb5: {  	[sflag:s29] =	ssyncadd.s32 $0xFFFFFFFF  }
0xb6: {  	_ =	strace $0x9000004B  }
0xb7: {  	_ =	sfence  }
0xb8: {  	s30 =	sld [smem:$0x0];
	_ =	sdelay $0x2  }
0xb9: {  	s31 =	sshll.u32 s1, $0xD;
	s1 =	sshrl.u32 s1, $0x2  }
0xba: {  	s3 =	sand.u32 $0x4000, s31;
	s1 =	sadd.s32 s1, s30  }
0xbb: {  	s0 =	sor.u32 s3, s0;
	s1 =	sshll.u32 s1, $0x11  }
0xbc: {  	s0 =	sor.u32 s1, s0  }
0xbd: {  	s0 =	sadd.s32 $0x8F2B, s0  }
0xbe: {  	[sflag:s0] =	ssyncadd.remote.s32 $0x1  }
0xbf: {  	_ =	sfence.sel $0xFFFF  }
0xc0: {  	[dreg:$0x0] =	wrdreg $0xFFFFFFFF;
	(pc) =	sbr.abs _section_cstart, $3  }
0xc1: {  	[dreg:$0x1] =	wrdreg $0xFFFFFFFF  }
0xc2: {  	_ =	task.clear_ibuf [dreg:s7], $0x2FFFF;
	_ =	strace $0x9FFFFFFF  }
0xc3: {  	(tm) =	ssettm $0x7FFFFFFF  }
tec
execute0_lowered:
.L_overlay_start_1:
0x0: {  	(tag) =	ssettag $0x1  }
0x1: {  	s1 =	rddreg [dreg:$0x0]  }
0x2: {  	s6 =	rddreg [dreg:$0x1]  }
0x3: {  	s0 =	srdreg.scid;
	s3 =	rddreg [dreg:$0x2];
	s4 =	simm.s32 $0x0  }
0x4: {  	s17 =	simm.s32 $0x2C00;
	s18 =	simm.s32 $0x2C80;
	s19 =	simm.s32 $0x80  }
0x5: {  	s20 =	simm.s32 $0x2D00;
	s10 =	sand.u32 $0x1, s0;
	s0 =	stileid.u32  }
0x6: {  	s21 =	simm.s32 $0x6D00;
	s22 =	simm.s32 $0x1;
	s8 =	smul.u32 $0x50000, s0  }
0x7: {  	s28 =	simm.s32 $0x0;
	[smem:$0x7FF] =	sst s4;
	s14 =	smul.u32 $0x138800, s10  }
0x8: {  	s12 =	sadd.s32 $0xC600, s6;
	s15 =	sadd.s32 $0x2BC00, s6;
	s16 =	smul.u32 $0x14000, s0  }
0x9: {  	s25 =	sadd.s32 $0x12C000, s3;
	s2 =	sshll.u32 s10, $0x4;
	s24 =	smul.u32 $0x5000, s10  }
0xa: {  	_ =	strace $0x8000004A;
	s9 =	ssub.s32 $0x2, s10;
	s29 =	smul.u32 $0x500, s0  }
0xb: {  	s31 =	sshll.u32 s0, $0x6;
	p0 =	seq.s32 s0, $0xF;
	s5 =	sor.u32 s0, s2  }
0xc: {  	s13 =	sshrl.u32 s9, $0x1;
	s25 =	sshrl.u32 @p0 s25, $0x3;
	s7 =	smul.u32 $0x580, s5  }
0xd: {  	s11 =	smul.u32 $0x500, s5;
	s5 =	sadd.s32 $0x2200, s6;
	s13 =	ssub.s32 s9, s13  }
0xe: {  	s8 =	sshrl.u32 s8, $0x2;
	s23 =	sadd.s32 s16, s14;
	s14 =	sshrl.u32 s14, $0x3  }
0xf: {  	s30 =	sadd.s32 s24, s12;
	s24 =	simm.s32 $0x2;
	s8 =	sadd.s32 s8, s3  }
0x10: {  	s26 =	sadd.s32 s15, s14;
	s14 =	simm.s32 $0x5;
	s7 =	sadd.s32 s7, s6  }
0x11: {  	s16 =	sshrl.u32 s8, $0x3;
	s6 =	sadd.s32 $0x20C00, s7;
	s7 =	sadd.s32 s12, s11  }
0x12: {  	s11 =	sshrl.u32 s23, $0x3;
	s12 =	smax.u32 s13, $0x1;
	s13 =	sadd.s32 s29, s30  }
0x13: {  	s23 =	simm.s32 $0x3;
	s9 =	sadd.s32 $0x10, s7;
	s10 =	sadd.s32 s15, s11  }
0x14: {  	s11 =	sadd.s32 $0x25800, s26;
	s15 =	sor.u32 $0x1C05, s31;
	s26 =	simm.s32 $0x4  }
.LBB2_1:
0x15: {  	[tilespmem:s4], [sflag:$0x5] =	stream.linear.gather [hbm4b:s6+s4], $0x2900, $0x38;
	[tilespmem:$0x1ED00] =	vst v63  }
0x16: {  	_ =	swait.ge [sflag:s14], $0x2900  }
0x17: {  	[sflag:s14] =	ssyncset.done $0x0  }
0x18: {  	[sflag:s14] =	ssyncadd.s32 $0xFFFFD700  }
0x19: {  	[spmem:s16], [sflag:s15] =	dma.local [hbm:s5], $0x2800  }
0x1a: {  	_ =	swait.ge [sflag:s14], $0x2800  }
0x1b: {  	[sflag:s14] =	ssyncset.done $0x0  }
0x1c: {  	[sflag:s14] =	ssyncadd.s32 $0xFFFFD800  }
0x1d: {  	[bflag:$0x0] =	sbarrier.arrive $0xFFFF  }
0x1e: {  	[tilespmem:s17], [sflag:$0x3] =	stream.linear.gather [hbm4b:s7+s4], $0x80, $0x38;
	[tilespmem:$0x1ED00] =	vst v63  }
0x1f: {  	_ = 	snop  }
0x20: {  	[tilespmem:s18], [sflag:$0x4] =	stream.linear.gather [hbm4b:s9+s4], $0x80, $0x38;
	[tilespmem:$0x1ED00] =	vst v63  }
0x21: {  	_ = 	snop  }
0x22: {  	[tilespmem:s20], [sflag:$0x1] =	stream.indirect.gather [hbm4b:s1+s19], $0x80, s4, s19, $0xb8;
	[tilespmem:$0x1ED00] =	vst v63  }
0x23: {  	_ = 	snop  }
0x24: {  	[tilespmem:s21], [sflag:$0x2] =	stream.indirect.gather [hbm4b:s1+s19], $0x80, s19, s19, $0xb8;
	[tilespmem:$0x1ED00] =	vst v63  }
0x25: {  	_ =	swait.ge [sflag:s22], $0x4000  }
0x26: {  	[sflag:s22] =	ssyncset.done $0x0  }
0x27: {  	[sflag:s22] =	ssyncadd.s32 $0xFFFFC000  }
0x28: {  	_ =	swait.ge [sflag:s23], $0x80  }
0x29: {  	[sflag:s23] =	ssyncset.done $0x0  }
0x2a: {  	[sflag:s23] =	ssyncadd.s32 $0xFFFFFF80  }
0x2b: {  	[spmem:s3] =	stream.indirect.scatter.add.f32 [tilespmem:s20], [sflag:$0x5], $0x80, s17, s19, $0xb8;
	[tilespmem:$0x1ED00] =	vst v63  }
0x2c: {  	_ =	swait.ge [sflag:s14], $0x4000  }
0x2d: {  	s29 =	sadd.s32 $0x0, s13;
	[sflag:s14] =	ssyncset.done $0x0  }
0x2e: {  	s30 =	sadd.s32 $0x20, s29;
	[sflag:s14] =	ssyncadd.s32 $0xFFFFC000  }
0x2f: {  	[tilespmem:s17], [sflag:$0x3] =	stream.linear.gather [hbm4b:s30+s4], $0x80, $0x38;
	[tilespmem:$0x1ED00] =	vst v63  }
0x30: {  	s30 =	simm.s32 $0x100  }
0x31: {  	[tilespmem:s20], [sflag:$0x1] =	stream.indirect.gather [hbm4b:s1+s19], $0x80, s30, s19, $0xb8;
	[tilespmem:$0x1ED00] =	vst v63  }
0x32: {  	_ =	swait.ge [sflag:s24], $0x4000  }
0x33: {  	[sflag:s24] =	ssyncset.done $0x0  }
0x34: {  	[sflag:s24] =	ssyncadd.s32 $0xFFFFC000  }
0x35: {  	_ =	swait.ge [sflag:s26], $0x80  }
0x36: {  	[sflag:s26] =	ssyncset.done $0x0  }
0x37: {  	[sflag:s26] =	ssyncadd.s32 $0xFFFFFF80  }
0x38: {  	[spmem:s3] =	stream.indirect.scatter.add.f32 [tilespmem:s21], [sflag:$0x5], $0x80, s18, s19, $0xb8;
	[tilespmem:$0x1ED00] =	vst v63  }
0x39: {  	_ =	swait.ge [sflag:s14], $0x4000  }
0x3a: {  	[sflag:s14] =	ssyncset.done $0x0  }
0x3b: {  	s29 =	sadd.s32 $0x30, s29;
	[sflag:s14] =	ssyncadd.s32 $0xFFFFC000  }
0x3c: {  	[tilespmem:s18], [sflag:$0x4] =	stream.linear.gather [hbm4b:s29+s4], $0x80, $0x38;
	[tilespmem:$0x1ED00] =	vst v63  }
0x3d: {  	s31 =	simm.s32 $0x280;
	s30 =	simm.s32 $0x20;
	s29 =	simm.s32 $0x180  }
.LBB2_2:
0x3e: {  	[tilespmem:s21], [sflag:$0x2] =	stream.indirect.gather [hbm4b:s1+s19], $0x80, s29, s19, $0xb8;
	[tilespmem:$0x1ED00] =	vst v63  }
0x3f: {  	s2 =	smov.u32 s30;
	s29 =	smov.u32 s31  }
0x40: {  	p1 =	sne.s32 s30, $0x4E0;
	s30 =	sadd.s32 $0x20, s30;
	_ =	swait.ge [sflag:s22], $0x4000  }
0x41: {  	[sflag:s22] =	ssyncset.done $0x0  }
0x42: {  	[sflag:s22] =	ssyncadd.s32 $0xFFFFC000  }
0x43: {  	_ =	swait.ge [sflag:s23], $0x80  }
0x44: {  	[sflag:s23] =	ssyncset.done $0x0  }
0x45: {  	[sflag:s23] =	ssyncadd.s32 $0xFFFFFF80  }
0x46: {  	[spmem:s3] =	stream.indirect.scatter.add.f32 [tilespmem:s20], [sflag:$0x5], $0x80, s17, s19, $0xb8;
	[tilespmem:$0x1ED00] =	vst v63  }
0x47: {  	_ =	swait.ge [sflag:s14], $0x4000  }
0x48: {  	s2 =	sadd.s32 s2, s13;
	[sflag:s14] =	ssyncset.done $0x0  }
0x49: {  	s0 =	sadd.s32 $0x20, s2;
	[sflag:s14] =	ssyncadd.s32 $0xFFFFC000  }
0x4a: {  	[tilespmem:s17], [sflag:$0x3] =	stream.linear.gather [hbm4b:s0+s4], $0x80, $0x38;
	[tilespmem:$0x1ED00] =	vst v63  }
0x4b: {  	s0 =	sadd.s32 $0xFFFFFF80, s31  }
0x4c: {  	[tilespmem:s20], [sflag:$0x1] =	stream.indirect.gather [hbm4b:s1+s19], $0x80, s0, s19, $0xb8;
	[tilespmem:$0x1ED00] =	vst v63  }
0x4d: {  	_ =	swait.ge [sflag:s24], $0x4000  }
0x4e: {  	[sflag:s24] =	ssyncset.done $0x0  }
0x4f: {  	[sflag:s24] =	ssyncadd.s32 $0xFFFFC000  }
0x50: {  	_ =	swait.ge [sflag:s26], $0x80  }
0x51: {  	[sflag:s26] =	ssyncset.done $0x0  }
0x52: {  	[sflag:s26] =	ssyncadd.s32 $0xFFFFFF80  }
0x53: {  	[spmem:s3] =	stream.indirect.scatter.add.f32 [tilespmem:s21], [sflag:$0x5], $0x80, s18, s19, $0xb8;
	[tilespmem:$0x1ED00] =	vst v63  }
.Ltmp0:
0x54: {  	_ =	swait.ge [sflag:s14], $0x4000;
	(pc) =	sbr.rel @p1 .LBB2_2-.Ltmp0, $4  }
0x55: {  	[sflag:s14] =	ssyncset.done $0x0  }
0x56: {  	s0 =	sadd.s32 $0x30, s2;
	[sflag:s14] =	ssyncadd.s32 $0xFFFFC000  }
0x57: {  	[tilespmem:s18], [sflag:$0x4] =	stream.linear.gather [hbm4b:s0+s4], $0x80, $0x38;
	[tilespmem:$0x1ED00] =	vst v63  }
0x58: {  	s31 =	sadd.s32 $0x100, s31  }
0x59: {  	[tilespmem:s21], [sflag:$0x2] =	stream.indirect.gather [hbm4b:s1+s19], $0x80, s29, s19, $0xb8;
	[tilespmem:$0x1ED00] =	vst v63  }
0x5a: {  	_ =	swait.ge [sflag:s22], $0x4000  }
0x5b: {  	[sflag:s22] =	ssyncset.done $0x0  }
0x5c: {  	[sflag:s22] =	ssyncadd.s32 $0xFFFFC000  }
0x5d: {  	_ =	swait.ge [sflag:s24], $0x4000  }
0x5e: {  	[sflag:s24] =	ssyncset.done $0x0  }
0x5f: {  	[sflag:s24] =	ssyncadd.s32 $0xFFFFC000  }
0x60: {  	_ =	swait.ge [sflag:s23], $0x80  }
0x61: {  	[sflag:s23] =	ssyncset.done $0x0  }
0x62: {  	[sflag:s23] =	ssyncadd.s32 $0xFFFFFF80  }
0x63: {  	_ =	swait.ge [sflag:s26], $0x80  }
0x64: {  	[sflag:s26] =	ssyncset.done $0x0  }
0x65: {  	[sflag:s26] =	ssyncadd.s32 $0xFFFFFF80  }
0x66: {  	s0 =	simm.s32 @p0 $0x5;
	[bflag:$0x0] =	sbarrier.arrive $0xFFFF  }
0x67: {  	[hbm:s11], [sflag:s15] =	dma.local @p0 [spmem:s25], $0x1900  }
0x68: {  	_ =	swait.ge @p0 [sflag:s0], $0x1900  }
0x69: {  	s28 =	sadd.s32 $0x1, s28;
	[sflag:s0] =	ssyncset.done @p0 $0x0  }
0x6a: {  	p1 =	sne.s32 s28, s12;
	[sflag:s0] =	ssyncadd.s32 @p0 $0xFFFFE700;
	s0 =	sshrl.u32 @!p0 s8, $0x3  }
0x6b: {  	[hbm:s10], [sflag:s15] =	dma.local @!p0 [spmem:s0], $0x2800  }
.Ltmp1:
0x6c: {  	_ = 	snop;
	(pc) =	sbr.rel @p1 .LBB2_1-.Ltmp1, $4  }
0x6d: {  	s0 =	simm.s32 @!p0 $0x5  }
0x6e: {  	_ =	swait.ge @!p0 [sflag:s0], $0x2800  }
0x6f: {  	[sflag:s0] =	ssyncset.done @!p0 $0x0  }
0x70: {  	[sflag:s0] =	ssyncadd.s32 @!p0 $0xFFFFD800  }
0x71: {  	_ =	sfence.sel $0x180000  }
0x72: {  	[bflag:$0x0] =	sbarrier.arrive $0xFFFF  }
0x73: {  	_ =	strace $0x9000004A  }
0x74: {  	s0 =	stileid.u32;
	[bflag:$0x2] =	sbarrier.arrive $0xFFFF  }
0x75: {  	p0 =	sne.s32 s0, $0x0;
	s0 =	rddreg [dreg:$0x3]  }
0x76: {  	s0 =	sadd.s32 @!p0 $0x100000, s0  }
0x77: {  	[sflag:s0] =	ssyncadd.tile.s32 @!p0 $0x1;
	_ =	shalt  }
.Lfunc_end2:
_tile_overlayer_lowered:
.L_overlay_start_2:
0x78: {  	(tag) =	ssettag $0x2  }
0x79: {  	s0 =	rddreg [dreg:$0x0];
	s2 =	stileid.u32  }
0x7a: {  	s1 =	rddreg [dreg:$0x1];
	p0 =	sne.s32 s2, $0x0  }
0x7b: {  	s3 =	rddreg [dreg:$0x2];
	[bflag:$0x3] =	sbarrier.arrive $0xFFFF;
	s2 =	simm.s32 @!p0 $0x1C05  }
0x7c: {  	[timem:s3], [sflag:s2] =	dma.local @!p0 [hbm:s0], s1  }
0x7d: {  	s0 =	simm.s32 @!p0 $0x5  }
0x7e: {  	_ =	swait.ge @!p0 [sflag:s0], s1  }
0x7f: {  	s1 =	ssub.s32 @!p0 $0x0, s1;
	[sflag:s0] =	ssyncset.done @!p0 $0x0  }
0x80: {  	[sflag:s0] =	ssyncadd.s32 @!p0 s1  }
0x81: {  	[bflag:$0x3] =	sbarrier.arrive $0xFFFF  }
0x82: {  	_ =	shalt  }

</sc_bundles>
